<compile_context>
chip_gen: v7x
topology: tpu7x:2x2x1
jax: 0.10.2.dev20260603
libtpu: 0.0.44.dev20260713+nightly
codegen_flags: <defaults>
</compile_context>

<pallas_src>
import functools

import jax
import jax.numpy as jnp
from jax import lax
from jax.experimental import pallas as pl
from jax.experimental.pallas import tpu as pltpu
from jax.experimental.pallas import tpu_sc as plsc

_B, _T, _I = 2, 2048, 1024
_E, _K, _J = 8, 512, 512

_INFO = plsc.get_sparse_core_info()
_NC, _NS = _INFO.num_cores, _INFO.num_subcores
_NW = _NC * _NS

_CHUNK = 32
_SLABS = ((0, 2), (2, 4), (6, 2))


def _sc_gather_slab(x_flat, ind3, e0, es):
    crows = _B * es * _K
    rpw = crows // _NW
    nch = rpw // _CHUNK
    nblk = rpw // 64
    wpe = 16 // es
    mesh = plsc.VectorSubcoreMesh(core_axis_name="c", subcore_axis_name="s")

    @functools.partial(
        pl.kernel,
        mesh=mesh,
        out_type=jax.ShapeDtypeStruct((crows, _I), jnp.float32),
        scratch_types=[
            pltpu.VMEM((nblk, 2, _CHUNK), jnp.int32),
            pltpu.VMEM((_CHUNK, _I), jnp.float32),
            pltpu.VMEM((_CHUNK, _I), jnp.float32),
            pltpu.SemaphoreType.DMA,
            pltpu.SemaphoreType.DMA,
            pltpu.SemaphoreType.DMA,
            pltpu.SemaphoreType.DMA,
        ],
    )
    def gather_kernel(x_hbm, ind_hbm, out_hbm, idx_v, rows0, rows1, gs0, gs1,
                      os0, os1):
        wid = lax.axis_index("s") * _NC + lax.axis_index("c")
        b = wid // 16
        u = wid % 16
        boff = b * _T
        blk0 = ((b * _E + e0 + u // wpe) * _K + (u % wpe) * rpw) // 64
        base = wid * rpw

        pltpu.sync_copy(ind_hbm.at[pl.ds(blk0, nblk)], idx_v)
        for r in range(nblk):
            for j in range(2):
                for h in range(_CHUNK // 16):
                    sl = pl.ds(h * 16, 16)
                    idx_v[r, j, sl] = idx_v[r, j, sl] + boff

        rows = (rows0, rows1)
        gs = (gs0, gs1)
        os = (os0, os1)

        def start_gather(s):
            return pltpu.async_copy(x_hbm.at[idx_v.at[s // 2, s % 2]],
                                    rows[s % 2], gs[s % 2])

        def start_out(s):
            return pltpu.async_copy(
                rows[s % 2], out_hbm.at[pl.ds(base + s * _CHUNK, _CHUNK)],
                os[s % 2])

        g_h = [None] * nch
        o_h = [None] * nch
        g_h[0] = start_gather(0)
        g_h[1] = start_gather(1)
        for s in range(nch):
            g_h[s].wait()
            o_h[s] = start_out(s)
            if s + 2 < nch:
                o_h[s].wait()
                g_h[s + 2] = start_gather(s + 2)
        o_h[nch - 2].wait()
        o_h[nch - 1].wait()

    return gather_kernel(x_flat, ind3)


def _tc_matmul_slab(xg, w, e0, es, y_prev=None):

    def mm_kernel(*refs):
        x_ref, w_ref, o_ref = refs[-3:]
        for bi in range(_B):
            o_ref[bi, 0] = jnp.dot(x_ref[bi, 0], w_ref[0],
                                   preferred_element_type=jnp.float32)

    out_shape = jax.ShapeDtypeStruct((_B, _E, _K, _J), jnp.float32)
    mm_specs = [
        pl.BlockSpec((_B, 1, _K, _I), lambda e: (0, e, 0, 0)),
        pl.BlockSpec((1, _I, _J), lambda e: (e0 + e, 0, 0)),
    ]
    out_spec = pl.BlockSpec((_B, 1, _K, _J), lambda e: (0, e0 + e, 0, 0))
    if y_prev is None:
        return pl.pallas_call(
            mm_kernel, grid=(es,), in_specs=mm_specs, out_specs=out_spec,
            out_shape=out_shape)(xg, w)
    return pl.pallas_call(
        mm_kernel, grid=(es,),
        in_specs=[pl.BlockSpec(memory_space=pl.ANY)] + mm_specs,
        out_specs=out_spec, out_shape=out_shape,
        input_output_aliases={0: 0})(y_prev, xg, w)


def kernel(X, ind, W):
    x_flat = X.reshape(_B * _T, _I)
    ind3 = ind.reshape((_B * _E * _K) // 64, 2, _CHUNK)
    xgs = [_sc_gather_slab(x_flat, ind3, e0, es) for e0, es in _SLABS]
    y = None
    for (e0, es), xg in zip(_SLABS, xgs):
        y = _tc_matmul_slab(xg.reshape(_B, es, _K, _I), W, e0, es, y_prev=y)
    return y

# --- scband reference (transcript-rebuilt; emitter-appended) ---
"""Pipeline reference for scband-torch-reshaped-gather-einsum-24902220382296 (READ-ONLY COPY).

The authoritative reference and input builder live on the scoring server;
editing this copy changes nothing except your own understanding.
"""

import jax, jax.numpy as jnp
import numpy as np

B, T, I = 2, 2048, 1024
E, K, J = 8, 512, 512


def setup_inputs(seed: int = 0) -> dict:
    key = jax.random.key(seed)
    k1, k2, k3 = jax.random.split(key, 3)
    X = jax.random.normal(k1, (B, T, I), dtype=jnp.float32)
    ind = jax.random.randint(k2, (B, E, K), 0, T, dtype=jnp.int32)
    W = jax.random.uniform(k3, (E, I, J), dtype=jnp.float32)
    return {"X": X, "ind": ind, "W": W}


def reference(X, ind, W):
    B_, T_, I_ = X.shape
    _, E_, K_ = ind.shape
    idx = ind.reshape(B_, E_ * K_)
    idx = jnp.broadcast_to(idx[:, :, None], (B_, E_ * K_, I_))
    X_gathered = jnp.take_along_axis(X, idx, axis=1).reshape(B_, E_, K_, I_)
    Y = jnp.einsum('beki,eij->bekj', X_gathered, W)
    return Y

if __name__ == "__main__":
    import jax
    _d = setup_inputs()
    print(jax.jit(kernel)(*tuple(_d.values())))

</pallas_src>

<mosaic_0001>
#map = affine_map<(d0, d1) -> (0, 0)>
#map1 = affine_map<(d0, d1) -> (0, 0, 0)>
module attributes {stable_mosaic.version = 14 : i64} {
  func.func @gather_kernel(%arg0: i32, %arg1: i32, %arg2: memref<4096x1024xf32, #tpu.memory_space<hbm>>, %arg3: memref<128x2x32xi32, #tpu.memory_space<hbm>>, %arg4: memref<2048x1024xf32, #tpu.memory_space<hbm>>, %arg5: memref<1x2x32xi32, #tpu.memory_space<vmem>>, %arg6: memref<32x1024xf32, #tpu.memory_space<vmem>>, %arg7: memref<32x1024xf32, #tpu.memory_space<vmem>>, %arg8: memref<!tpu.dma_semaphore, #tpu.memory_space<semaphore_mem>>, %arg9: memref<!tpu.dma_semaphore, #tpu.memory_space<semaphore_mem>>, %arg10: memref<!tpu.dma_semaphore, #tpu.memory_space<semaphore_mem>>, %arg11: memref<!tpu.dma_semaphore, #tpu.memory_space<semaphore_mem>>) attributes {dimension_semantics = [#tpu.dimension_semantics<core_parallel>, #tpu.dimension_semantics<subcore_parallel>], iteration_bounds = array<i64: 2, 16>, scalar_prefetch = 0 : i64, scratch_operands = 7 : i64, tpu.core_type = #tpu.core_type<sc_vector_subcore>, window_params = [{transform_indices = #map}, {transform_indices = #map1}, {transform_indices = #map}]} {
    %mul3A = arith.constant 2 : i32
    %mul3A_0 = arith.muli %arg1, %mul3A : i32
    %add3A = arith.addi %mul3A_0, %arg0 : i32
    %jit3A = arith.constant 16 : i32
    %div3A = arith.divsi %add3A, %jit3A : i32
    %sign3A = arith.constant 0 : i32
    %sign3A_1 = arith.cmpi sgt, %add3A, %sign3A : i32
    %sign3A_2 = arith.extui %sign3A_1 : i1 to i32
    %sign3A_3 = arith.constant 0 : i32
    %sign3A_4 = arith.cmpi slt, %add3A, %sign3A_3 : i32
    %sign3A_5 = arith.extui %sign3A_4 : i1 to i32
    %sign3A_6 = arith.subi %sign3A_2, %sign3A_5 : i32
    %sign3A_7 = arith.constant 0 : i32
    %sign3A_8 = arith.cmpi sgt, %jit3A, %sign3A_7 : i32
    %sign3A_9 = arith.extui %sign3A_8 : i1 to i32
    %sign3A_10 = arith.constant 0 : i32
    %sign3A_11 = arith.cmpi slt, %jit3A, %sign3A_10 : i32
    %sign3A_12 = arith.extui %sign3A_11 : i1 to i32
    %sign3A_13 = arith.subi %sign3A_9, %sign3A_12 : i32
    %ne3A = arith.cmpi ne, %sign3A_6, %sign3A_13 : i32
    %rem3A = arith.remsi %add3A, %jit3A : i32
    %ne3A_14 = arith.constant 0 : i32
    %ne3A_15 = arith.cmpi ne, %rem3A, %ne3A_14 : i32
    %and3A = arith.andi %ne3A, %ne3A_15 : i1
    %sub3A = arith.constant 1 : i32
    %sub3A_16 = arith.subi %div3A, %sub3A : i32
    %select_n3A = arith.select %and3A, %sub3A_16, %div3A : i32
    %jit3A_17 = arith.constant 16 : i32
    %eq3A = arith.constant 0 : i32
    %eq3A_18 = arith.cmpi eq, %jit3A_17, %eq3A : i32
    %jit3A_19 = arith.constant 1 : i32
    %select_n3A_20 = arith.select %eq3A_18, %jit3A_19, %jit3A_17 : i32
    %rem3A_21 = arith.remsi %add3A, %select_n3A_20 : i32
    %ne3A_22 = arith.constant 0 : i32
    %ne3A_23 = arith.cmpi ne, %rem3A_21, %ne3A_22 : i32
    %lt3A = arith.constant 0 : i32
    %lt3A_24 = arith.cmpi slt, %rem3A_21, %lt3A : i32
    %lt3A_25 = arith.constant 0 : i32
    %lt3A_26 = arith.cmpi slt, %select_n3A_20, %lt3A_25 : i32
    %ne3A_27 = arith.xori %lt3A_24, %lt3A_26 : i1
    %and3A_28 = arith.andi %ne3A_27, %ne3A_23 : i1
    %add3A_29 = arith.addi %rem3A_21, %select_n3A_20 : i32
    %select_n3A_30 = arith.select %and3A_28, %add3A_29, %rem3A_21 : i32
    %mul3A_31 = arith.constant 2048 : i32
    %mul3A_32 = arith.muli %select_n3A, %mul3A_31 : i32
    %mul3A_33 = arith.constant 8 : i32
    %mul3A_34 = arith.muli %select_n3A, %mul3A_33 : i32
    %add3A_35 = arith.constant 0 : i32
    %add3A_36 = arith.addi %mul3A_34, %add3A_35 : i32
    %jit3A_37 = arith.constant 8 : i32
    %div3A_38 = arith.divsi %select_n3A_30, %jit3A_37 : i32
    %sign3A_39 = arith.constant 0 : i32
    %sign3A_40 = arith.cmpi sgt, %select_n3A_30, %sign3A_39 : i32
    %sign3A_41 = arith.extui %sign3A_40 : i1 to i32
    %sign3A_42 = arith.constant 0 : i32
    %sign3A_43 = arith.cmpi slt, %select_n3A_30, %sign3A_42 : i32
    %sign3A_44 = arith.extui %sign3A_43 : i1 to i32
    %sign3A_45 = arith.subi %sign3A_41, %sign3A_44 : i32
    %sign3A_46 = arith.constant 0 : i32
    %sign3A_47 = arith.cmpi sgt, %jit3A_37, %sign3A_46 : i32
    %sign3A_48 = arith.extui %sign3A_47 : i1 to i32
    %sign3A_49 = arith.constant 0 : i32
    %sign3A_50 = arith.cmpi slt, %jit3A_37, %sign3A_49 : i32
    %sign3A_51 = arith.extui %sign3A_50 : i1 to i32
    %sign3A_52 = arith.subi %sign3A_48, %sign3A_51 : i32
    %ne3A_53 = arith.cmpi ne, %sign3A_45, %sign3A_52 : i32
    %rem3A_54 = arith.remsi %select_n3A_30, %jit3A_37 : i32
    %ne3A_55 = arith.constant 0 : i32
    %ne3A_56 = arith.cmpi ne, %rem3A_54, %ne3A_55 : i32
    %and3A_57 = arith.andi %ne3A_53, %ne3A_56 : i1
    %sub3A_58 = arith.constant 1 : i32
    %sub3A_59 = arith.subi %div3A_38, %sub3A_58 : i32
    %select_n3A_60 = arith.select %and3A_57, %sub3A_59, %div3A_38 : i32
    %add3A_61 = arith.addi %add3A_36, %select_n3A_60 : i32
    %mul3A_62 = arith.constant 512 : i32
    %mul3A_63 = arith.muli %add3A_61, %mul3A_62 : i32
    %jit3A_64 = arith.constant 8 : i32
    %eq3A_65 = arith.constant 0 : i32
    %eq3A_66 = arith.cmpi eq, %jit3A_64, %eq3A_65 : i32
    %jit3A_67 = arith.constant 1 : i32
    %select_n3A_68 = arith.select %eq3A_66, %jit3A_67, %jit3A_64 : i32
    %rem3A_69 = arith.remsi %select_n3A_30, %select_n3A_68 : i32
    %ne3A_70 = arith.constant 0 : i32
    %ne3A_71 = arith.cmpi ne, %rem3A_69, %ne3A_70 : i32
    %lt3A_72 = arith.constant 0 : i32
    %lt3A_73 = arith.cmpi slt, %rem3A_69, %lt3A_72 : i32
    %lt3A_74 = arith.constant 0 : i32
    %lt3A_75 = arith.cmpi slt, %select_n3A_68, %lt3A_74 : i32
    %ne3A_76 = arith.xori %lt3A_73, %lt3A_75 : i1
    %and3A_77 = arith.andi %ne3A_76, %ne3A_71 : i1
    %add3A_78 = arith.addi %rem3A_69, %select_n3A_68 : i32
    %select_n3A_79 = arith.select %and3A_77, %add3A_78, %rem3A_69 : i32
    %mul3A_80 = arith.constant 64 : i32
    %mul3A_81 = arith.muli %select_n3A_79, %mul3A_80 : i32
    %add3A_82 = arith.addi %mul3A_63, %mul3A_81 : i32
    %jit3A_83 = arith.constant 64 : i32
    %div3A_84 = arith.divsi %add3A_82, %jit3A_83 : i32
    %sign3A_85 = arith.constant 0 : i32
    %sign3A_86 = arith.cmpi sgt, %add3A_82, %sign3A_85 : i32
    %sign3A_87 = arith.extui %sign3A_86 : i1 to i32
    %sign3A_88 = arith.constant 0 : i32
    %sign3A_89 = arith.cmpi slt, %add3A_82, %sign3A_88 : i32
    %sign3A_90 = arith.extui %sign3A_89 : i1 to i32
    %sign3A_91 = arith.subi %sign3A_87, %sign3A_90 : i32
    %sign3A_92 = arith.constant 0 : i32
    %sign3A_93 = arith.cmpi sgt, %jit3A_83, %sign3A_92 : i32
    %sign3A_94 = arith.extui %sign3A_93 : i1 to i32
    %sign3A_95 = arith.constant 0 : i32
    %sign3A_96 = arith.cmpi slt, %jit3A_83, %sign3A_95 : i32
    %sign3A_97 = arith.extui %sign3A_96 : i1 to i32
    %sign3A_98 = arith.subi %sign3A_94, %sign3A_97 : i32
    %ne3A_99 = arith.cmpi ne, %sign3A_91, %sign3A_98 : i32
    %rem3A_100 = arith.remsi %add3A_82, %jit3A_83 : i32
    %ne3A_101 = arith.constant 0 : i32
    %ne3A_102 = arith.cmpi ne, %rem3A_100, %ne3A_101 : i32
    %and3A_103 = arith.andi %ne3A_99, %ne3A_102 : i1
    %sub3A_104 = arith.constant 1 : i32
    %sub3A_105 = arith.subi %div3A_84, %sub3A_104 : i32
    %select_n3A_106 = arith.select %and3A_103, %sub3A_105, %div3A_84 : i32
    %mul3A_107 = arith.constant 64 : i32
    %mul3A_108 = arith.muli %add3A, %mul3A_107 : i32
    "tpu.region"() ({
      %run_scoped3A = tpu.sem_alloc : memref<!tpu.dma_semaphore, #tpu.memory_space<semaphore_mem>>
      %dma_start3A_225 = arith.constant 0 : i32
      %dma_start3A_226 = arith.constant 0 : i32
      %dma_start3A_227 = tpu.memref_slice %arg3[%select_n3A_106, %dma_start3A_225, %dma_start3A_226] : memref<128x2x32xi32, #tpu.memory_space<hbm>> -> memref<1x2x32xi32, #tpu.memory_space<hbm>>
      %dma_start3A_228 = arith.constant 0 : i32
      %dma_start3A_229 = arith.constant 0 : i32
      %dma_start3A_230 = tpu.memref_slice %arg3[%select_n3A_106, %dma_start3A_228, %dma_start3A_229] : memref<128x2x32xi32, #tpu.memory_space<hbm>> -> memref<1x2x32xi32, #tpu.memory_space<hbm>>
      tpu.enqueue_dma source(%dma_start3A_230 : memref<1x2x32xi32, #tpu.memory_space<hbm>>) target(%arg5 : memref<1x2x32xi32, #tpu.memory_space<vmem>>) target_semaphore(%run_scoped3A : memref<!tpu.dma_semaphore, #tpu.memory_space<semaphore_mem>>)
      %dma_wait3A_231 = arith.constant 0 : i32
      %dma_wait3A_232 = arith.constant 0 : i32
      %dma_wait3A_233 = tpu.memref_slice %arg3[%select_n3A_106, %dma_wait3A_231, %dma_wait3A_232] : memref<128x2x32xi32, #tpu.memory_space<hbm>> -> memref<1x2x32xi32, #tpu.memory_space<hbm>>
      %dma_wait3A_234 = arith.constant 0 : i32
      %dma_wait3A_235 = arith.constant 0 : i32
      %dma_wait3A_236 = tpu.memref_slice %arg3[%select_n3A_106, %dma_wait3A_234, %dma_wait3A_235] : memref<128x2x32xi32, #tpu.memory_space<hbm>> -> memref<1x2x32xi32, #tpu.memory_space<hbm>>
      tpu.wait_dma2 semaphore(%run_scoped3A : memref<!tpu.dma_semaphore, #tpu.memory_space<semaphore_mem>>) src(%dma_wait3A_236 : memref<1x2x32xi32, #tpu.memory_space<hbm>>) dst(%arg5 : memref<1x2x32xi32, #tpu.memory_space<vmem>>)
      tpu.yield
    }) : () -> ()
    %get3A = arith.constant 0 : i32
    %get3A_109 = arith.constant 0 : i32
    %get3A_110 = arith.index_cast %get3A : i32 to index
    %get3A_111 = arith.index_cast %get3A_109 : i32 to index
    %get3A_112 = arith.constant 0 : index
    %get3A_113 = tpu.vector_load %arg5[%get3A_110, %get3A_111, %get3A_112] {strides = array<i32>} : memref<1x2x32xi32, #tpu.memory_space<vmem>>, vector<1x1x16xi32>,
    %get3A_114 = vector.shape_cast %get3A_113 : vector<1x1x16xi32> to vector<16xi32>
    %add3A_115 = vector.broadcast %mul3A_32 : i32 to vector<16xi32>
    %add3A_116 = arith.addi %get3A_114, %add3A_115 : vector<16xi32>
    %swap3A = arith.constant 0 : i32
    %swap3A_117 = arith.constant 0 : i32
    %swap3A_118 = arith.index_cast %swap3A : i32 to index
    %swap3A_119 = arith.index_cast %swap3A_117 : i32 to index
    %swap3A_120 = arith.constant 0 : index
    %swap3A_121 = tpu.vector_load %arg5[%swap3A_118, %swap3A_119, %swap3A_120] {strides = array<i32>} : memref<1x2x32xi32, #tpu.memory_space<vmem>>, vector<1x1x16xi32>,
    %swap3A_122 = vector.shape_cast %swap3A_121 : vector<1x1x16xi32> to vector<16xi32>
    %swap3A_123 = vector.shape_cast %add3A_116 : vector<16xi32> to vector<1x1x16xi32>
    tpu.vector_store %arg5[%swap3A_118, %swap3A_119, %swap3A_120], %swap3A_123 {strides = array<i32>} : memref<1x2x32xi32, #tpu.memory_space<vmem>>, vector<1x1x16xi32>,
    %get3A_124 = arith.constant 0 : i32
    %get3A_125 = arith.constant 0 : i32
    %get3A_126 = arith.index_cast %get3A_124 : i32 to index
    %get3A_127 = arith.index_cast %get3A_125 : i32 to index
    %get3A_128 = arith.constant 16 : index
    %get3A_129 = tpu.vector_load %arg5[%get3A_126, %get3A_127, %get3A_128] {strides = array<i32>} : memref<1x2x32xi32, #tpu.memory_space<vmem>>, vector<1x1x16xi32>,
    %get3A_130 = vector.shape_cast %get3A_129 : vector<1x1x16xi32> to vector<16xi32>
    %add3A_131 = vector.broadcast %mul3A_32 : i32 to vector<16xi32>
    %add3A_132 = arith.addi %get3A_130, %add3A_131 : vector<16xi32>
    %swap3A_133 = arith.constant 0 : i32
    %swap3A_134 = arith.constant 0 : i32
    %swap3A_135 = arith.index_cast %swap3A_133 : i32 to index
    %swap3A_136 = arith.index_cast %swap3A_134 : i32 to index
    %swap3A_137 = arith.constant 16 : index
    %swap3A_138 = tpu.vector_load %arg5[%swap3A_135, %swap3A_136, %swap3A_137] {strides = array<i32>} : memref<1x2x32xi32, #tpu.memory_space<vmem>>, vector<1x1x16xi32>,
    %swap3A_139 = vector.shape_cast %swap3A_138 : vector<1x1x16xi32> to vector<16xi32>
    %swap3A_140 = vector.shape_cast %add3A_132 : vector<16xi32> to vector<1x1x16xi32>
    tpu.vector_store %arg5[%swap3A_135, %swap3A_136, %swap3A_137], %swap3A_140 {strides = array<i32>} : memref<1x2x32xi32, #tpu.memory_space<vmem>>, vector<1x1x16xi32>,
    %get3A_141 = arith.constant 0 : i32
    %get3A_142 = arith.constant 1 : i32
    %get3A_143 = arith.index_cast %get3A_141 : i32 to index
    %get3A_144 = arith.index_cast %get3A_142 : i32 to index
    %get3A_145 = arith.constant 0 : index
    %get3A_146 = tpu.vector_load %arg5[%get3A_143, %get3A_144, %get3A_145] {strides = array<i32>} : memref<1x2x32xi32, #tpu.memory_space<vmem>>, vector<1x1x16xi32>,
    %get3A_147 = vector.shape_cast %get3A_146 : vector<1x1x16xi32> to vector<16xi32>
    %add3A_148 = vector.broadcast %mul3A_32 : i32 to vector<16xi32>
    %add3A_149 = arith.addi %get3A_147, %add3A_148 : vector<16xi32>
    %swap3A_150 = arith.constant 0 : i32
    %swap3A_151 = arith.constant 1 : i32
    %swap3A_152 = arith.index_cast %swap3A_150 : i32 to index
    %swap3A_153 = arith.index_cast %swap3A_151 : i32 to index
    %swap3A_154 = arith.constant 0 : index
    %swap3A_155 = tpu.vector_load %arg5[%swap3A_152, %swap3A_153, %swap3A_154] {strides = array<i32>} : memref<1x2x32xi32, #tpu.memory_space<vmem>>, vector<1x1x16xi32>,
    %swap3A_156 = vector.shape_cast %swap3A_155 : vector<1x1x16xi32> to vector<16xi32>
    %swap3A_157 = vector.shape_cast %add3A_149 : vector<16xi32> to vector<1x1x16xi32>
    tpu.vector_store %arg5[%swap3A_152, %swap3A_153, %swap3A_154], %swap3A_157 {strides = array<i32>} : memref<1x2x32xi32, #tpu.memory_space<vmem>>, vector<1x1x16xi32>,
    %get3A_158 = arith.constant 0 : i32
    %get3A_159 = arith.constant 1 : i32
    %get3A_160 = arith.index_cast %get3A_158 : i32 to index
    %get3A_161 = arith.index_cast %get3A_159 : i32 to index
    %get3A_162 = arith.constant 16 : index
    %get3A_163 = tpu.vector_load %arg5[%get3A_160, %get3A_161, %get3A_162] {strides = array<i32>} : memref<1x2x32xi32, #tpu.memory_space<vmem>>, vector<1x1x16xi32>,
    %get3A_164 = vector.shape_cast %get3A_163 : vector<1x1x16xi32> to vector<16xi32>
    %add3A_165 = vector.broadcast %mul3A_32 : i32 to vector<16xi32>
    %add3A_166 = arith.addi %get3A_164, %add3A_165 : vector<16xi32>
    %swap3A_167 = arith.constant 0 : i32
    %swap3A_168 = arith.constant 1 : i32
    %swap3A_169 = arith.index_cast %swap3A_167 : i32 to index
    %swap3A_170 = arith.index_cast %swap3A_168 : i32 to index
    %swap3A_171 = arith.constant 16 : index
    %swap3A_172 = tpu.vector_load %arg5[%swap3A_169, %swap3A_170, %swap3A_171] {strides = array<i32>} : memref<1x2x32xi32, #tpu.memory_space<vmem>>, vector<1x1x16xi32>,
    %swap3A_173 = vector.shape_cast %swap3A_172 : vector<1x1x16xi32> to vector<16xi32>
    %swap3A_174 = vector.shape_cast %add3A_166 : vector<16xi32> to vector<1x1x16xi32>
    tpu.vector_store %arg5[%swap3A_169, %swap3A_170, %swap3A_171], %swap3A_174 {strides = array<i32>} : memref<1x2x32xi32, #tpu.memory_space<vmem>>, vector<1x1x16xi32>,
    %dma_start3A = arith.constant 0 : i32
    %dma_start3A_175 = arith.constant 0 : i32
    %dma_start3A_176 = arith.constant 0 : i32
    %dma_start3A_177 = tpu.memref_slice %arg5[%dma_start3A, %dma_start3A_175, %dma_start3A_176] : memref<1x2x32xi32, #tpu.memory_space<vmem>> -> memref<1x1x32xi32, #tpu.memory_space<vmem>>
    %dma_start3A_178 = tpu.memref_squeeze %dma_start3A_177 : memref<1x1x32xi32, #tpu.memory_space<vmem>> -> memref<32xi32, #tpu.memory_space<vmem>>
    %dma_start3A_179 = arith.constant 0 : i32
    %dma_start3A_180 = arith.constant 0 : i32
    %dma_start3A_181 = tpu.memref_slice %arg2[%dma_start3A_179, %dma_start3A_180] : memref<4096x1024xf32, #tpu.memory_space<hbm>> -> memref<4096x1024xf32, #tpu.memory_space<hbm>>
    tpu.enqueue_indirect_dma source(%dma_start3A_181 : memref<4096x1024xf32, #tpu.memory_space<hbm>>) target(%arg6 : memref<32x1024xf32, #tpu.memory_space<vmem>>) offsets(%dma_start3A_178 : memref<32xi32, #tpu.memory_space<vmem>>) semaphore(%arg8 : memref<!tpu.dma_semaphore, #tpu.memory_space<semaphore_mem>>)
    %dma_start3A_182 = arith.constant 0 : i32
    %dma_start3A_183 = arith.constant 1 : i32
    %dma_start3A_184 = arith.constant 0 : i32
    %dma_start3A_185 = tpu.memref_slice %arg5[%dma_start3A_182, %dma_start3A_183, %dma_start3A_184] : memref<1x2x32xi32, #tpu.memory_space<vmem>> -> memref<1x1x32xi32, #tpu.memory_space<vmem>>
    %dma_start3A_186 = tpu.memref_squeeze %dma_start3A_185 : memref<1x1x32xi32, #tpu.memory_space<vmem>> -> memref<32xi32, #tpu.memory_space<vmem>>
    %dma_start3A_187 = arith.constant 0 : i32
    %dma_start3A_188 = arith.constant 0 : i32
    %dma_start3A_189 = tpu.memref_slice %arg2[%dma_start3A_187, %dma_start3A_188] : memref<4096x1024xf32, #tpu.memory_space<hbm>> -> memref<4096x1024xf32, #tpu.memory_space<hbm>>
    tpu.enqueue_indirect_dma source(%dma_start3A_189 : memref<4096x1024xf32, #tpu.memory_space<hbm>>) target(%arg7 : memref<32x1024xf32, #tpu.memory_space<vmem>>) offsets(%dma_start3A_186 : memref<32xi32, #tpu.memory_space<vmem>>) semaphore(%arg9 : memref<!tpu.dma_semaphore, #tpu.memory_space<semaphore_mem>>)
    %dma_wait3A = arith.constant 0 : i32
    %dma_wait3A_190 = arith.constant 0 : i32
    %dma_wait3A_191 = arith.constant 0 : i32
    %dma_wait3A_192 = tpu.memref_slice %arg5[%dma_wait3A, %dma_wait3A_190, %dma_wait3A_191] : memref<1x2x32xi32, #tpu.memory_space<vmem>> -> memref<1x1x32xi32, #tpu.memory_space<vmem>>
    %dma_wait3A_193 = tpu.memref_squeeze %dma_wait3A_192 : memref<1x1x32xi32, #tpu.memory_space<vmem>> -> memref<32xi32, #tpu.memory_space<vmem>>
    %dma_wait3A_194 = arith.constant 0 : i32
    %dma_wait3A_195 = arith.constant 0 : i32
    %dma_wait3A_196 = tpu.memref_slice %arg2[%dma_wait3A_194, %dma_wait3A_195] : memref<4096x1024xf32, #tpu.memory_space<hbm>> -> memref<4096x1024xf32, #tpu.memory_space<hbm>>
    tpu.wait_indirect_dma semaphore(%arg8 : memref<!tpu.dma_semaphore, #tpu.memory_space<semaphore_mem>>) src(%dma_wait3A_196 : memref<4096x1024xf32, #tpu.memory_space<hbm>>) dst(%arg6 : memref<32x1024xf32, #tpu.memory_space<vmem>>)
    %add3A_197 = arith.constant 0 : i32
    %add3A_198 = arith.addi %mul3A_108, %add3A_197 : i32
    %dma_start3A_199 = arith.constant 0 : i32
    %dma_start3A_200 = tpu.memref_slice %arg4[%add3A_198, %dma_start3A_199] : memref<2048x1024xf32, #tpu.memory_space<hbm>> -> memref<32x1024xf32, #tpu.memory_space<hbm>>
    %dma_start3A_201 = arith.constant 0 : i32
    %dma_start3A_202 = tpu.memref_slice %arg4[%add3A_198, %dma_start3A_201] : memref<2048x1024xf32, #tpu.memory_space<hbm>> -> memref<32x1024xf32, #tpu.memory_space<hbm>>
    tpu.enqueue_dma source(%arg6 : memref<32x1024xf32, #tpu.memory_space<vmem>>) target(%dma_start3A_202 : memref<32x1024xf32, #tpu.memory_space<hbm>>) target_semaphore(%arg10 : memref<!tpu.dma_semaphore, #tpu.memory_space<semaphore_mem>>)
    %dma_wait3A_203 = arith.constant 0 : i32
    %dma_wait3A_204 = arith.constant 1 : i32
    %dma_wait3A_205 = arith.constant 0 : i32
    %dma_wait3A_206 = tpu.memref_slice %arg5[%dma_wait3A_203, %dma_wait3A_204, %dma_wait3A_205] : memref<1x2x32xi32, #tpu.memory_space<vmem>> -> memref<1x1x32xi32, #tpu.memory_space<vmem>>
    %dma_wait3A_207 = tpu.memref_squeeze %dma_wait3A_206 : memref<1x1x32xi32, #tpu.memory_space<vmem>> -> memref<32xi32, #tpu.memory_space<vmem>>
    %dma_wait3A_208 = arith.constant 0 : i32
    %dma_wait3A_209 = arith.constant 0 : i32
    %dma_wait3A_210 = tpu.memref_slice %arg2[%dma_wait3A_208, %dma_wait3A_209] : memref<4096x1024xf32, #tpu.memory_space<hbm>> -> memref<4096x1024xf32, #tpu.memory_space<hbm>>
    tpu.wait_indirect_dma semaphore(%arg9 : memref<!tpu.dma_semaphore, #tpu.memory_space<semaphore_mem>>) src(%dma_wait3A_210 : memref<4096x1024xf32, #tpu.memory_space<hbm>>) dst(%arg7 : memref<32x1024xf32, #tpu.memory_space<vmem>>)
    %add3A_211 = arith.constant 32 : i32
    %add3A_212 = arith.addi %mul3A_108, %add3A_211 : i32
    %dma_start3A_213 = arith.constant 0 : i32
    %dma_start3A_214 = tpu.memref_slice %arg4[%add3A_212, %dma_start3A_213] : memref<2048x1024xf32, #tpu.memory_space<hbm>> -> memref<32x1024xf32, #tpu.memory_space<hbm>>
    %dma_start3A_215 = arith.constant 0 : i32
    %dma_start3A_216 = tpu.memref_slice %arg4[%add3A_212, %dma_start3A_215] : memref<2048x1024xf32, #tpu.memory_space<hbm>> -> memref<32x1024xf32, #tpu.memory_space<hbm>>
    tpu.enqueue_dma source(%arg7 : memref<32x1024xf32, #tpu.memory_space<vmem>>) target(%dma_start3A_216 : memref<32x1024xf32, #tpu.memory_space<hbm>>) target_semaphore(%arg11 : memref<!tpu.dma_semaphore, #tpu.memory_space<semaphore_mem>>)
    %dma_wait3A_217 = arith.constant 0 : i32
    %dma_wait3A_218 = tpu.memref_slice %arg4[%add3A_198, %dma_wait3A_217] : memref<2048x1024xf32, #tpu.memory_space<hbm>> -> memref<32x1024xf32, #tpu.memory_space<hbm>>
    %dma_wait3A_219 = arith.constant 0 : i32
    %dma_wait3A_220 = tpu.memref_slice %arg4[%add3A_198, %dma_wait3A_219] : memref<2048x1024xf32, #tpu.memory_space<hbm>> -> memref<32x1024xf32, #tpu.memory_space<hbm>>
    tpu.wait_dma2 semaphore(%arg10 : memref<!tpu.dma_semaphore, #tpu.memory_space<semaphore_mem>>) src(%arg6 : memref<32x1024xf32, #tpu.memory_space<vmem>>) dst(%dma_wait3A_220 : memref<32x1024xf32, #tpu.memory_space<hbm>>)
    %dma_wait3A_221 = arith.constant 0 : i32
    %dma_wait3A_222 = tpu.memref_slice %arg4[%add3A_212, %dma_wait3A_221] : memref<2048x1024xf32, #tpu.memory_space<hbm>> -> memref<32x1024xf32, #tpu.memory_space<hbm>>
    %dma_wait3A_223 = arith.constant 0 : i32
    %dma_wait3A_224 = tpu.memref_slice %arg4[%add3A_212, %dma_wait3A_223] : memref<2048x1024xf32, #tpu.memory_space<hbm>> -> memref<32x1024xf32, #tpu.memory_space<hbm>>
    tpu.wait_dma2 semaphore(%arg11 : memref<!tpu.dma_semaphore, #tpu.memory_space<semaphore_mem>>) src(%arg7 : memref<32x1024xf32, #tpu.memory_space<vmem>>) dst(%dma_wait3A_224 : memref<32x1024xf32, #tpu.memory_space<hbm>>)
    return
  }
}

#map = affine_map<(d0, d1) -> (0, 0)>
#map1 = affine_map<(d0, d1) -> (0, 0, 0)>
module attributes {stable_mosaic.version = 14 : i64} {
  func.func @gather_kernel(%arg0: i32, %arg1: i32, %arg2: memref<4096x1024xf32, #tpu.memory_space<hbm>>, %arg3: memref<128x2x32xi32, #tpu.memory_space<hbm>>, %arg4: memref<2048x1024xf32, #tpu.memory_space<hbm>>, %arg5: memref<1x2x32xi32, #tpu.memory_space<vmem>>, %arg6: memref<32x1024xf32, #tpu.memory_space<vmem>>, %arg7: memref<32x1024xf32, #tpu.memory_space<vmem>>, %arg8: memref<!tpu.dma_semaphore, #tpu.memory_space<semaphore_mem>>, %arg9: memref<!tpu.dma_semaphore, #tpu.memory_space<semaphore_mem>>, %arg10: memref<!tpu.dma_semaphore, #tpu.memory_space<semaphore_mem>>, %arg11: memref<!tpu.dma_semaphore, #tpu.memory_space<semaphore_mem>>) attributes {dimension_semantics = [#tpu.dimension_semantics<core_parallel>, #tpu.dimension_semantics<subcore_parallel>], iteration_bounds = array<i64: 2, 16>, scalar_prefetch = 0 : i64, scratch_operands = 7 : i64, tpu.core_type = #tpu.core_type<sc_vector_subcore>, window_params = [{transform_indices = #map}, {transform_indices = #map1}, {transform_indices = #map}]} {
    %mul3A = arith.constant 2 : i32
    %mul3A_0 = arith.muli %arg1, %mul3A : i32
    %add3A = arith.addi %mul3A_0, %arg0 : i32
    %jit3A = arith.constant 16 : i32
    %div3A = arith.divsi %add3A, %jit3A : i32
    %sign3A = arith.constant 0 : i32
    %sign3A_1 = arith.cmpi sgt, %add3A, %sign3A : i32
    %sign3A_2 = arith.extui %sign3A_1 : i1 to i32
    %sign3A_3 = arith.constant 0 : i32
    %sign3A_4 = arith.cmpi slt, %add3A, %sign3A_3 : i32
    %sign3A_5 = arith.extui %sign3A_4 : i1 to i32
    %sign3A_6 = arith.subi %sign3A_2, %sign3A_5 : i32
    %sign3A_7 = arith.constant 0 : i32
    %sign3A_8 = arith.cmpi sgt, %jit3A, %sign3A_7 : i32
    %sign3A_9 = arith.extui %sign3A_8 : i1 to i32
    %sign3A_10 = arith.constant 0 : i32
    %sign3A_11 = arith.cmpi slt, %jit3A, %sign3A_10 : i32
    %sign3A_12 = arith.extui %sign3A_11 : i1 to i32
    %sign3A_13 = arith.subi %sign3A_9, %sign3A_12 : i32
    %ne3A = arith.cmpi ne, %sign3A_6, %sign3A_13 : i32
    %rem3A = arith.remsi %add3A, %jit3A : i32
    %ne3A_14 = arith.constant 0 : i32
    %ne3A_15 = arith.cmpi ne, %rem3A, %ne3A_14 : i32
    %and3A = arith.andi %ne3A, %ne3A_15 : i1
    %sub3A = arith.constant 1 : i32
    %sub3A_16 = arith.subi %div3A, %sub3A : i32
    %select_n3A = arith.select %and3A, %sub3A_16, %div3A : i32
    %jit3A_17 = arith.constant 16 : i32
    %eq3A = arith.constant 0 : i32
    %eq3A_18 = arith.cmpi eq, %jit3A_17, %eq3A : i32
    %jit3A_19 = arith.constant 1 : i32
    %select_n3A_20 = arith.select %eq3A_18, %jit3A_19, %jit3A_17 : i32
    %rem3A_21 = arith.remsi %add3A, %select_n3A_20 : i32
    %ne3A_22 = arith.constant 0 : i32
    %ne3A_23 = arith.cmpi ne, %rem3A_21, %ne3A_22 : i32
    %lt3A = arith.constant 0 : i32
    %lt3A_24 = arith.cmpi slt, %rem3A_21, %lt3A : i32
    %lt3A_25 = arith.constant 0 : i32
    %lt3A_26 = arith.cmpi slt, %select_n3A_20, %lt3A_25 : i32
    %ne3A_27 = arith.xori %lt3A_24, %lt3A_26 : i1
    %and3A_28 = arith.andi %ne3A_27, %ne3A_23 : i1
    %add3A_29 = arith.addi %rem3A_21, %select_n3A_20 : i32
    %select_n3A_30 = arith.select %and3A_28, %add3A_29, %rem3A_21 : i32
    %mul3A_31 = arith.constant 2048 : i32
    %mul3A_32 = arith.muli %select_n3A, %mul3A_31 : i32
    %mul3A_33 = arith.constant 8 : i32
    %mul3A_34 = arith.muli %select_n3A, %mul3A_33 : i32
    %add3A_35 = arith.constant 6 : i32
    %add3A_36 = arith.addi %mul3A_34, %add3A_35 : i32
    %jit3A_37 = arith.constant 8 : i32
    %div3A_38 = arith.divsi %select_n3A_30, %jit3A_37 : i32
    %sign3A_39 = arith.constant 0 : i32
    %sign3A_40 = arith.cmpi sgt, %select_n3A_30, %sign3A_39 : i32
    %sign3A_41 = arith.extui %sign3A_40 : i1 to i32
    %sign3A_42 = arith.constant 0 : i32
    %sign3A_43 = arith.cmpi slt, %select_n3A_30, %sign3A_42 : i32
    %sign3A_44 = arith.extui %sign3A_43 : i1 to i32
    %sign3A_45 = arith.subi %sign3A_41, %sign3A_44 : i32
    %sign3A_46 = arith.constant 0 : i32
    %sign3A_47 = arith.cmpi sgt, %jit3A_37, %sign3A_46 : i32
    %sign3A_48 = arith.extui %sign3A_47 : i1 to i32
    %sign3A_49 = arith.constant 0 : i32
    %sign3A_50 = arith.cmpi slt, %jit3A_37, %sign3A_49 : i32
    %sign3A_51 = arith.extui %sign3A_50 : i1 to i32
    %sign3A_52 = arith.subi %sign3A_48, %sign3A_51 : i32
    %ne3A_53 = arith.cmpi ne, %sign3A_45, %sign3A_52 : i32
    %rem3A_54 = arith.remsi %select_n3A_30, %jit3A_37 : i32
    %ne3A_55 = arith.constant 0 : i32
    %ne3A_56 = arith.cmpi ne, %rem3A_54, %ne3A_55 : i32
    %and3A_57 = arith.andi %ne3A_53, %ne3A_56 : i1
    %sub3A_58 = arith.constant 1 : i32
    %sub3A_59 = arith.subi %div3A_38, %sub3A_58 : i32
    %select_n3A_60 = arith.select %and3A_57, %sub3A_59, %div3A_38 : i32
    %add3A_61 = arith.addi %add3A_36, %select_n3A_60 : i32
    %mul3A_62 = arith.constant 512 : i32
    %mul3A_63 = arith.muli %add3A_61, %mul3A_62 : i32
    %jit3A_64 = arith.constant 8 : i32
    %eq3A_65 = arith.constant 0 : i32
    %eq3A_66 = arith.cmpi eq, %jit3A_64, %eq3A_65 : i32
    %jit3A_67 = arith.constant 1 : i32
    %select_n3A_68 = arith.select %eq3A_66, %jit3A_67, %jit3A_64 : i32
    %rem3A_69 = arith.remsi %select_n3A_30, %select_n3A_68 : i32
    %ne3A_70 = arith.constant 0 : i32
    %ne3A_71 = arith.cmpi ne, %rem3A_69, %ne3A_70 : i32
    %lt3A_72 = arith.constant 0 : i32
    %lt3A_73 = arith.cmpi slt, %rem3A_69, %lt3A_72 : i32
    %lt3A_74 = arith.constant 0 : i32
    %lt3A_75 = arith.cmpi slt, %select_n3A_68, %lt3A_74 : i32
    %ne3A_76 = arith.xori %lt3A_73, %lt3A_75 : i1
    %and3A_77 = arith.andi %ne3A_76, %ne3A_71 : i1
    %add3A_78 = arith.addi %rem3A_69, %select_n3A_68 : i32
    %select_n3A_79 = arith.select %and3A_77, %add3A_78, %rem3A_69 : i32
    %mul3A_80 = arith.constant 64 : i32
    %mul3A_81 = arith.muli %select_n3A_79, %mul3A_80 : i32
    %add3A_82 = arith.addi %mul3A_63, %mul3A_81 : i32
    %jit3A_83 = arith.constant 64 : i32
    %div3A_84 = arith.divsi %add3A_82, %jit3A_83 : i32
    %sign3A_85 = arith.constant 0 : i32
    %sign3A_86 = arith.cmpi sgt, %add3A_82, %sign3A_85 : i32
    %sign3A_87 = arith.extui %sign3A_86 : i1 to i32
    %sign3A_88 = arith.constant 0 : i32
    %sign3A_89 = arith.cmpi slt, %add3A_82, %sign3A_88 : i32
    %sign3A_90 = arith.extui %sign3A_89 : i1 to i32
    %sign3A_91 = arith.subi %sign3A_87, %sign3A_90 : i32
    %sign3A_92 = arith.constant 0 : i32
    %sign3A_93 = arith.cmpi sgt, %jit3A_83, %sign3A_92 : i32
    %sign3A_94 = arith.extui %sign3A_93 : i1 to i32
    %sign3A_95 = arith.constant 0 : i32
    %sign3A_96 = arith.cmpi slt, %jit3A_83, %sign3A_95 : i32
    %sign3A_97 = arith.extui %sign3A_96 : i1 to i32
    %sign3A_98 = arith.subi %sign3A_94, %sign3A_97 : i32
    %ne3A_99 = arith.cmpi ne, %sign3A_91, %sign3A_98 : i32
    %rem3A_100 = arith.remsi %add3A_82, %jit3A_83 : i32
    %ne3A_101 = arith.constant 0 : i32
    %ne3A_102 = arith.cmpi ne, %rem3A_100, %ne3A_101 : i32
    %and3A_103 = arith.andi %ne3A_99, %ne3A_102 : i1
    %sub3A_104 = arith.constant 1 : i32
    %sub3A_105 = arith.subi %div3A_84, %sub3A_104 : i32
    %select_n3A_106 = arith.select %and3A_103, %sub3A_105, %div3A_84 : i32
    %mul3A_107 = arith.constant 64 : i32
    %mul3A_108 = arith.muli %add3A, %mul3A_107 : i32
    "tpu.region"() ({
      %run_scoped3A = tpu.sem_alloc : memref<!tpu.dma_semaphore, #tpu.memory_space<semaphore_mem>>
      %dma_start3A_225 = arith.constant 0 : i32
      %dma_start3A_226 = arith.constant 0 : i32
      %dma_start3A_227 = tpu.memref_slice %arg3[%select_n3A_106, %dma_start3A_225, %dma_start3A_226] : memref<128x2x32xi32, #tpu.memory_space<hbm>> -> memref<1x2x32xi32, #tpu.memory_space<hbm>>
      %dma_start3A_228 = arith.constant 0 : i32
      %dma_start3A_229 = arith.constant 0 : i32
      %dma_start3A_230 = tpu.memref_slice %arg3[%select_n3A_106, %dma_start3A_228, %dma_start3A_229] : memref<128x2x32xi32, #tpu.memory_space<hbm>> -> memref<1x2x32xi32, #tpu.memory_space<hbm>>
      tpu.enqueue_dma source(%dma_start3A_230 : memref<1x2x32xi32, #tpu.memory_space<hbm>>) target(%arg5 : memref<1x2x32xi32, #tpu.memory_space<vmem>>) target_semaphore(%run_scoped3A : memref<!tpu.dma_semaphore, #tpu.memory_space<semaphore_mem>>)
      %dma_wait3A_231 = arith.constant 0 : i32
      %dma_wait3A_232 = arith.constant 0 : i32
      %dma_wait3A_233 = tpu.memref_slice %arg3[%select_n3A_106, %dma_wait3A_231, %dma_wait3A_232] : memref<128x2x32xi32, #tpu.memory_space<hbm>> -> memref<1x2x32xi32, #tpu.memory_space<hbm>>
      %dma_wait3A_234 = arith.constant 0 : i32
      %dma_wait3A_235 = arith.constant 0 : i32
      %dma_wait3A_236 = tpu.memref_slice %arg3[%select_n3A_106, %dma_wait3A_234, %dma_wait3A_235] : memref<128x2x32xi32, #tpu.memory_space<hbm>> -> memref<1x2x32xi32, #tpu.memory_space<hbm>>
      tpu.wait_dma2 semaphore(%run_scoped3A : memref<!tpu.dma_semaphore, #tpu.memory_space<semaphore_mem>>) src(%dma_wait3A_236 : memref<1x2x32xi32, #tpu.memory_space<hbm>>) dst(%arg5 : memref<1x2x32xi32, #tpu.memory_space<vmem>>)
      tpu.yield
    }) : () -> ()
    %get3A = arith.constant 0 : i32
    %get3A_109 = arith.constant 0 : i32
    %get3A_110 = arith.index_cast %get3A : i32 to index
    %get3A_111 = arith.index_cast %get3A_109 : i32 to index
    %get3A_112 = arith.constant 0 : index
    %get3A_113 = tpu.vector_load %arg5[%get3A_110, %get3A_111, %get3A_112] {strides = array<i32>} : memref<1x2x32xi32, #tpu.memory_space<vmem>>, vector<1x1x16xi32>,
    %get3A_114 = vector.shape_cast %get3A_113 : vector<1x1x16xi32> to vector<16xi32>
    %add3A_115 = vector.broadcast %mul3A_32 : i32 to vector<16xi32>
    %add3A_116 = arith.addi %get3A_114, %add3A_115 : vector<16xi32>
    %swap3A = arith.constant 0 : i32
    %swap3A_117 = arith.constant 0 : i32
    %swap3A_118 = arith.index_cast %swap3A : i32 to index
    %swap3A_119 = arith.index_cast %swap3A_117 : i32 to index
    %swap3A_120 = arith.constant 0 : index
    %swap3A_121 = tpu.vector_load %arg5[%swap3A_118, %swap3A_119, %swap3A_120] {strides = array<i32>} : memref<1x2x32xi32, #tpu.memory_space<vmem>>, vector<1x1x16xi32>,
    %swap3A_122 = vector.shape_cast %swap3A_121 : vector<1x1x16xi32> to vector<16xi32>
    %swap3A_123 = vector.shape_cast %add3A_116 : vector<16xi32> to vector<1x1x16xi32>
    tpu.vector_store %arg5[%swap3A_118, %swap3A_119, %swap3A_120], %swap3A_123 {strides = array<i32>} : memref<1x2x32xi32, #tpu.memory_space<vmem>>, vector<1x1x16xi32>,
    %get3A_124 = arith.constant 0 : i32
    %get3A_125 = arith.constant 0 : i32
    %get3A_126 = arith.index_cast %get3A_124 : i32 to index
    %get3A_127 = arith.index_cast %get3A_125 : i32 to index
    %get3A_128 = arith.constant 16 : index
    %get3A_129 = tpu.vector_load %arg5[%get3A_126, %get3A_127, %get3A_128] {strides = array<i32>} : memref<1x2x32xi32, #tpu.memory_space<vmem>>, vector<1x1x16xi32>,
    %get3A_130 = vector.shape_cast %get3A_129 : vector<1x1x16xi32> to vector<16xi32>
    %add3A_131 = vector.broadcast %mul3A_32 : i32 to vector<16xi32>
    %add3A_132 = arith.addi %get3A_130, %add3A_131 : vector<16xi32>
    %swap3A_133 = arith.constant 0 : i32
    %swap3A_134 = arith.constant 0 : i32
    %swap3A_135 = arith.index_cast %swap3A_133 : i32 to index
    %swap3A_136 = arith.index_cast %swap3A_134 : i32 to index
    %swap3A_137 = arith.constant 16 : index
    %swap3A_138 = tpu.vector_load %arg5[%swap3A_135, %swap3A_136, %swap3A_137] {strides = array<i32>} : memref<1x2x32xi32, #tpu.memory_space<vmem>>, vector<1x1x16xi32>,
    %swap3A_139 = vector.shape_cast %swap3A_138 : vector<1x1x16xi32> to vector<16xi32>
    %swap3A_140 = vector.shape_cast %add3A_132 : vector<16xi32> to vector<1x1x16xi32>
    tpu.vector_store %arg5[%swap3A_135, %swap3A_136, %swap3A_137], %swap3A_140 {strides = array<i32>} : memref<1x2x32xi32, #tpu.memory_space<vmem>>, vector<1x1x16xi32>,
    %get3A_141 = arith.constant 0 : i32
    %get3A_142 = arith.constant 1 : i32
    %get3A_143 = arith.index_cast %get3A_141 : i32 to index
    %get3A_144 = arith.index_cast %get3A_142 : i32 to index
    %get3A_145 = arith.constant 0 : index
    %get3A_146 = tpu.vector_load %arg5[%get3A_143, %get3A_144, %get3A_145] {strides = array<i32>} : memref<1x2x32xi32, #tpu.memory_space<vmem>>, vector<1x1x16xi32>,
    %get3A_147 = vector.shape_cast %get3A_146 : vector<1x1x16xi32> to vector<16xi32>
    %add3A_148 = vector.broadcast %mul3A_32 : i32 to vector<16xi32>
    %add3A_149 = arith.addi %get3A_147, %add3A_148 : vector<16xi32>
    %swap3A_150 = arith.constant 0 : i32
    %swap3A_151 = arith.constant 1 : i32
    %swap3A_152 = arith.index_cast %swap3A_150 : i32 to index
    %swap3A_153 = arith.index_cast %swap3A_151 : i32 to index
    %swap3A_154 = arith.constant 0 : index
    %swap3A_155 = tpu.vector_load %arg5[%swap3A_152, %swap3A_153, %swap3A_154] {strides = array<i32>} : memref<1x2x32xi32, #tpu.memory_space<vmem>>, vector<1x1x16xi32>,
    %swap3A_156 = vector.shape_cast %swap3A_155 : vector<1x1x16xi32> to vector<16xi32>
    %swap3A_157 = vector.shape_cast %add3A_149 : vector<16xi32> to vector<1x1x16xi32>
    tpu.vector_store %arg5[%swap3A_152, %swap3A_153, %swap3A_154], %swap3A_157 {strides = array<i32>} : memref<1x2x32xi32, #tpu.memory_space<vmem>>, vector<1x1x16xi32>,
    %get3A_158 = arith.constant 0 : i32
    %get3A_159 = arith.constant 1 : i32
    %get3A_160 = arith.index_cast %get3A_158 : i32 to index
    %get3A_161 = arith.index_cast %get3A_159 : i32 to index
    %get3A_162 = arith.constant 16 : index
    %get3A_163 = tpu.vector_load %arg5[%get3A_160, %get3A_161, %get3A_162] {strides = array<i32>} : memref<1x2x32xi32, #tpu.memory_space<vmem>>, vector<1x1x16xi32>,
    %get3A_164 = vector.shape_cast %get3A_163 : vector<1x1x16xi32> to vector<16xi32>
    %add3A_165 = vector.broadcast %mul3A_32 : i32 to vector<16xi32>
    %add3A_166 = arith.addi %get3A_164, %add3A_165 : vector<16xi32>
    %swap3A_167 = arith.constant 0 : i32
    %swap3A_168 = arith.constant 1 : i32
    %swap3A_169 = arith.index_cast %swap3A_167 : i32 to index
    %swap3A_170 = arith.index_cast %swap3A_168 : i32 to index
    %swap3A_171 = arith.constant 16 : index
    %swap3A_172 = tpu.vector_load %arg5[%swap3A_169, %swap3A_170, %swap3A_171] {strides = array<i32>} : memref<1x2x32xi32, #tpu.memory_space<vmem>>, vector<1x1x16xi32>,
    %swap3A_173 = vector.shape_cast %swap3A_172 : vector<1x1x16xi32> to vector<16xi32>
    %swap3A_174 = vector.shape_cast %add3A_166 : vector<16xi32> to vector<1x1x16xi32>
    tpu.vector_store %arg5[%swap3A_169, %swap3A_170, %swap3A_171], %swap3A_174 {strides = array<i32>} : memref<1x2x32xi32, #tpu.memory_space<vmem>>, vector<1x1x16xi32>,
    %dma_start3A = arith.constant 0 : i32
    %dma_start3A_175 = arith.constant 0 : i32
    %dma_start3A_176 = arith.constant 0 : i32
    %dma_start3A_177 = tpu.memref_slice %arg5[%dma_start3A, %dma_start3A_175, %dma_start3A_176] : memref<1x2x32xi32, #tpu.memory_space<vmem>> -> memref<1x1x32xi32, #tpu.memory_space<vmem>>
    %dma_start3A_178 = tpu.memref_squeeze %dma_start3A_177 : memref<1x1x32xi32, #tpu.memory_space<vmem>> -> memref<32xi32, #tpu.memory_space<vmem>>
    %dma_start3A_179 = arith.constant 0 : i32
    %dma_start3A_180 = arith.constant 0 : i32
    %dma_start3A_181 = tpu.memref_slice %arg2[%dma_start3A_179, %dma_start3A_180] : memref<4096x1024xf32, #tpu.memory_space<hbm>> -> memref<4096x1024xf32, #tpu.memory_space<hbm>>
    tpu.enqueue_indirect_dma source(%dma_start3A_181 : memref<4096x1024xf32, #tpu.memory_space<hbm>>) target(%arg6 : memref<32x1024xf32, #tpu.memory_space<vmem>>) offsets(%dma_start3A_178 : memref<32xi32, #tpu.memory_space<vmem>>) semaphore(%arg8 : memref<!tpu.dma_semaphore, #tpu.memory_space<semaphore_mem>>)
    %dma_start3A_182 = arith.constant 0 : i32
    %dma_start3A_183 = arith.constant 1 : i32
    %dma_start3A_184 = arith.constant 0 : i32
    %dma_start3A_185 = tpu.memref_slice %arg5[%dma_start3A_182, %dma_start3A_183, %dma_start3A_184] : memref<1x2x32xi32, #tpu.memory_space<vmem>> -> memref<1x1x32xi32, #tpu.memory_space<vmem>>
    %dma_start3A_186 = tpu.memref_squeeze %dma_start3A_185 : memref<1x1x32xi32, #tpu.memory_space<vmem>> -> memref<32xi32, #tpu.memory_space<vmem>>
    %dma_start3A_187 = arith.constant 0 : i32
    %dma_start3A_188 = arith.constant 0 : i32
    %dma_start3A_189 = tpu.memref_slice %arg2[%dma_start3A_187, %dma_start3A_188] : memref<4096x1024xf32, #tpu.memory_space<hbm>> -> memref<4096x1024xf32, #tpu.memory_space<hbm>>
    tpu.enqueue_indirect_dma source(%dma_start3A_189 : memref<4096x1024xf32, #tpu.memory_space<hbm>>) target(%arg7 : memref<32x1024xf32, #tpu.memory_space<vmem>>) offsets(%dma_start3A_186 : memref<32xi32, #tpu.memory_space<vmem>>) semaphore(%arg9 : memref<!tpu.dma_semaphore, #tpu.memory_space<semaphore_mem>>)
    %dma_wait3A = arith.constant 0 : i32
    %dma_wait3A_190 = arith.constant 0 : i32
    %dma_wait3A_191 = arith.constant 0 : i32
    %dma_wait3A_192 = tpu.memref_slice %arg5[%dma_wait3A, %dma_wait3A_190, %dma_wait3A_191] : memref<1x2x32xi32, #tpu.memory_space<vmem>> -> memref<1x1x32xi32, #tpu.memory_space<vmem>>
    %dma_wait3A_193 = tpu.memref_squeeze %dma_wait3A_192 : memref<1x1x32xi32, #tpu.memory_space<vmem>> -> memref<32xi32, #tpu.memory_space<vmem>>
    %dma_wait3A_194 = arith.constant 0 : i32
    %dma_wait3A_195 = arith.constant 0 : i32
    %dma_wait3A_196 = tpu.memref_slice %arg2[%dma_wait3A_194, %dma_wait3A_195] : memref<4096x1024xf32, #tpu.memory_space<hbm>> -> memref<4096x1024xf32, #tpu.memory_space<hbm>>
    tpu.wait_indirect_dma semaphore(%arg8 : memref<!tpu.dma_semaphore, #tpu.memory_space<semaphore_mem>>) src(%dma_wait3A_196 : memref<4096x1024xf32, #tpu.memory_space<hbm>>) dst(%arg6 : memref<32x1024xf32, #tpu.memory_space<vmem>>)
    %add3A_197 = arith.constant 0 : i32
    %add3A_198 = arith.addi %mul3A_108, %add3A_197 : i32
    %dma_start3A_199 = arith.constant 0 : i32
    %dma_start3A_200 = tpu.memref_slice %arg4[%add3A_198, %dma_start3A_199] : memref<2048x1024xf32, #tpu.memory_space<hbm>> -> memref<32x1024xf32, #tpu.memory_space<hbm>>
    %dma_start3A_201 = arith.constant 0 : i32
    %dma_start3A_202 = tpu.memref_slice %arg4[%add3A_198, %dma_start3A_201] : memref<2048x1024xf32, #tpu.memory_space<hbm>> -> memref<32x1024xf32, #tpu.memory_space<hbm>>
    tpu.enqueue_dma source(%arg6 : memref<32x1024xf32, #tpu.memory_space<vmem>>) target(%dma_start3A_202 : memref<32x1024xf32, #tpu.memory_space<hbm>>) target_semaphore(%arg10 : memref<!tpu.dma_semaphore, #tpu.memory_space<semaphore_mem>>)
    %dma_wait3A_203 = arith.constant 0 : i32
    %dma_wait3A_204 = arith.constant 1 : i32
    %dma_wait3A_205 = arith.constant 0 : i32
    %dma_wait3A_206 = tpu.memref_slice %arg5[%dma_wait3A_203, %dma_wait3A_204, %dma_wait3A_205] : memref<1x2x32xi32, #tpu.memory_space<vmem>> -> memref<1x1x32xi32, #tpu.memory_space<vmem>>
    %dma_wait3A_207 = tpu.memref_squeeze %dma_wait3A_206 : memref<1x1x32xi32, #tpu.memory_space<vmem>> -> memref<32xi32, #tpu.memory_space<vmem>>
    %dma_wait3A_208 = arith.constant 0 : i32
    %dma_wait3A_209 = arith.constant 0 : i32
    %dma_wait3A_210 = tpu.memref_slice %arg2[%dma_wait3A_208, %dma_wait3A_209] : memref<4096x1024xf32, #tpu.memory_space<hbm>> -> memref<4096x1024xf32, #tpu.memory_space<hbm>>
    tpu.wait_indirect_dma semaphore(%arg9 : memref<!tpu.dma_semaphore, #tpu.memory_space<semaphore_mem>>) src(%dma_wait3A_210 : memref<4096x1024xf32, #tpu.memory_space<hbm>>) dst(%arg7 : memref<32x1024xf32, #tpu.memory_space<vmem>>)
    %add3A_211 = arith.constant 32 : i32
    %add3A_212 = arith.addi %mul3A_108, %add3A_211 : i32
    %dma_start3A_213 = arith.constant 0 : i32
    %dma_start3A_214 = tpu.memref_slice %arg4[%add3A_212, %dma_start3A_213] : memref<2048x1024xf32, #tpu.memory_space<hbm>> -> memref<32x1024xf32, #tpu.memory_space<hbm>>
    %dma_start3A_215 = arith.constant 0 : i32
    %dma_start3A_216 = tpu.memref_slice %arg4[%add3A_212, %dma_start3A_215] : memref<2048x1024xf32, #tpu.memory_space<hbm>> -> memref<32x1024xf32, #tpu.memory_space<hbm>>
    tpu.enqueue_dma source(%arg7 : memref<32x1024xf32, #tpu.memory_space<vmem>>) target(%dma_start3A_216 : memref<32x1024xf32, #tpu.memory_space<hbm>>) target_semaphore(%arg11 : memref<!tpu.dma_semaphore, #tpu.memory_space<semaphore_mem>>)
    %dma_wait3A_217 = arith.constant 0 : i32
    %dma_wait3A_218 = tpu.memref_slice %arg4[%add3A_198, %dma_wait3A_217] : memref<2048x1024xf32, #tpu.memory_space<hbm>> -> memref<32x1024xf32, #tpu.memory_space<hbm>>
    %dma_wait3A_219 = arith.constant 0 : i32
    %dma_wait3A_220 = tpu.memref_slice %arg4[%add3A_198, %dma_wait3A_219] : memref<2048x1024xf32, #tpu.memory_space<hbm>> -> memref<32x1024xf32, #tpu.memory_space<hbm>>
    tpu.wait_dma2 semaphore(%arg10 : memref<!tpu.dma_semaphore, #tpu.memory_space<semaphore_mem>>) src(%arg6 : memref<32x1024xf32, #tpu.memory_space<vmem>>) dst(%dma_wait3A_220 : memref<32x1024xf32, #tpu.memory_space<hbm>>)
    %dma_wait3A_221 = arith.constant 0 : i32
    %dma_wait3A_222 = tpu.memref_slice %arg4[%add3A_212, %dma_wait3A_221] : memref<2048x1024xf32, #tpu.memory_space<hbm>> -> memref<32x1024xf32, #tpu.memory_space<hbm>>
    %dma_wait3A_223 = arith.constant 0 : i32
    %dma_wait3A_224 = tpu.memref_slice %arg4[%add3A_212, %dma_wait3A_223] : memref<2048x1024xf32, #tpu.memory_space<hbm>> -> memref<32x1024xf32, #tpu.memory_space<hbm>>
    tpu.wait_dma2 semaphore(%arg11 : memref<!tpu.dma_semaphore, #tpu.memory_space<semaphore_mem>>) src(%arg7 : memref<32x1024xf32, #tpu.memory_space<vmem>>) dst(%dma_wait3A_224 : memref<32x1024xf32, #tpu.memory_space<hbm>>)
    return
  }
}

#map = affine_map<(d0, d1) -> (0, 0)>
#map1 = affine_map<(d0, d1) -> (0, 0, 0)>
module attributes {stable_mosaic.version = 14 : i64} {
  func.func @gather_kernel(%arg0: i32, %arg1: i32, %arg2: memref<4096x1024xf32, #tpu.memory_space<hbm>>, %arg3: memref<128x2x32xi32, #tpu.memory_space<hbm>>, %arg4: memref<4096x1024xf32, #tpu.memory_space<hbm>>, %arg5: memref<2x2x32xi32, #tpu.memory_space<vmem>>, %arg6: memref<32x1024xf32, #tpu.memory_space<vmem>>, %arg7: memref<32x1024xf32, #tpu.memory_space<vmem>>, %arg8: memref<!tpu.dma_semaphore, #tpu.memory_space<semaphore_mem>>, %arg9: memref<!tpu.dma_semaphore, #tpu.memory_space<semaphore_mem>>, %arg10: memref<!tpu.dma_semaphore, #tpu.memory_space<semaphore_mem>>, %arg11: memref<!tpu.dma_semaphore, #tpu.memory_space<semaphore_mem>>) attributes {dimension_semantics = [#tpu.dimension_semantics<core_parallel>, #tpu.dimension_semantics<subcore_parallel>], iteration_bounds = array<i64: 2, 16>, scalar_prefetch = 0 : i64, scratch_operands = 7 : i64, tpu.core_type = #tpu.core_type<sc_vector_subcore>, window_params = [{transform_indices = #map}, {transform_indices = #map1}, {transform_indices = #map}]} {
    %mul3A = arith.constant 2 : i32
    %mul3A_0 = arith.muli %arg1, %mul3A : i32
    %add3A = arith.addi %mul3A_0, %arg0 : i32
    %jit3A = arith.constant 16 : i32
    %div3A = arith.divsi %add3A, %jit3A : i32
    %sign3A = arith.constant 0 : i32
    %sign3A_1 = arith.cmpi sgt, %add3A, %sign3A : i32
    %sign3A_2 = arith.extui %sign3A_1 : i1 to i32
    %sign3A_3 = arith.constant 0 : i32
    %sign3A_4 = arith.cmpi slt, %add3A, %sign3A_3 : i32
    %sign3A_5 = arith.extui %sign3A_4 : i1 to i32
    %sign3A_6 = arith.subi %sign3A_2, %sign3A_5 : i32
    %sign3A_7 = arith.constant 0 : i32
    %sign3A_8 = arith.cmpi sgt, %jit3A, %sign3A_7 : i32
    %sign3A_9 = arith.extui %sign3A_8 : i1 to i32
    %sign3A_10 = arith.constant 0 : i32
    %sign3A_11 = arith.cmpi slt, %jit3A, %sign3A_10 : i32
    %sign3A_12 = arith.extui %sign3A_11 : i1 to i32
    %sign3A_13 = arith.subi %sign3A_9, %sign3A_12 : i32
    %ne3A = arith.cmpi ne, %sign3A_6, %sign3A_13 : i32
    %rem3A = arith.remsi %add3A, %jit3A : i32
    %ne3A_14 = arith.constant 0 : i32
    %ne3A_15 = arith.cmpi ne, %rem3A, %ne3A_14 : i32
    %and3A = arith.andi %ne3A, %ne3A_15 : i1
    %sub3A = arith.constant 1 : i32
    %sub3A_16 = arith.subi %div3A, %sub3A : i32
    %select_n3A = arith.select %and3A, %sub3A_16, %div3A : i32
    %jit3A_17 = arith.constant 16 : i32
    %eq3A = arith.constant 0 : i32
    %eq3A_18 = arith.cmpi eq, %jit3A_17, %eq3A : i32
    %jit3A_19 = arith.constant 1 : i32
    %select_n3A_20 = arith.select %eq3A_18, %jit3A_19, %jit3A_17 : i32
    %rem3A_21 = arith.remsi %add3A, %select_n3A_20 : i32
    %ne3A_22 = arith.constant 0 : i32
    %ne3A_23 = arith.cmpi ne, %rem3A_21, %ne3A_22 : i32
    %lt3A = arith.constant 0 : i32
    %lt3A_24 = arith.cmpi slt, %rem3A_21, %lt3A : i32
    %lt3A_25 = arith.constant 0 : i32
    %lt3A_26 = arith.cmpi slt, %select_n3A_20, %lt3A_25 : i32
    %ne3A_27 = arith.xori %lt3A_24, %lt3A_26 : i1
    %and3A_28 = arith.andi %ne3A_27, %ne3A_23 : i1
    %add3A_29 = arith.addi %rem3A_21, %select_n3A_20 : i32
    %select_n3A_30 = arith.select %and3A_28, %add3A_29, %rem3A_21 : i32
    %mul3A_31 = arith.constant 2048 : i32
    %mul3A_32 = arith.muli %select_n3A, %mul3A_31 : i32
    %mul3A_33 = arith.constant 8 : i32
    %mul3A_34 = arith.muli %select_n3A, %mul3A_33 : i32
    %add3A_35 = arith.constant 2 : i32
    %add3A_36 = arith.addi %mul3A_34, %add3A_35 : i32
    %jit3A_37 = arith.constant 4 : i32
    %div3A_38 = arith.divsi %select_n3A_30, %jit3A_37 : i32
    %sign3A_39 = arith.constant 0 : i32
    %sign3A_40 = arith.cmpi sgt, %select_n3A_30, %sign3A_39 : i32
    %sign3A_41 = arith.extui %sign3A_40 : i1 to i32
    %sign3A_42 = arith.constant 0 : i32
    %sign3A_43 = arith.cmpi slt, %select_n3A_30, %sign3A_42 : i32
    %sign3A_44 = arith.extui %sign3A_43 : i1 to i32
    %sign3A_45 = arith.subi %sign3A_41, %sign3A_44 : i32
    %sign3A_46 = arith.constant 0 : i32
    %sign3A_47 = arith.cmpi sgt, %jit3A_37, %sign3A_46 : i32
    %sign3A_48 = arith.extui %sign3A_47 : i1 to i32
    %sign3A_49 = arith.constant 0 : i32
    %sign3A_50 = arith.cmpi slt, %jit3A_37, %sign3A_49 : i32
    %sign3A_51 = arith.extui %sign3A_50 : i1 to i32
    %sign3A_52 = arith.subi %sign3A_48, %sign3A_51 : i32
    %ne3A_53 = arith.cmpi ne, %sign3A_45, %sign3A_52 : i32
    %rem3A_54 = arith.remsi %select_n3A_30, %jit3A_37 : i32
    %ne3A_55 = arith.constant 0 : i32
    %ne3A_56 = arith.cmpi ne, %rem3A_54, %ne3A_55 : i32
    %and3A_57 = arith.andi %ne3A_53, %ne3A_56 : i1
    %sub3A_58 = arith.constant 1 : i32
    %sub3A_59 = arith.subi %div3A_38, %sub3A_58 : i32
    %select_n3A_60 = arith.select %and3A_57, %sub3A_59, %div3A_38 : i32
    %add3A_61 = arith.addi %add3A_36, %select_n3A_60 : i32
    %mul3A_62 = arith.constant 512 : i32
    %mul3A_63 = arith.muli %add3A_61, %mul3A_62 : i32
    %jit3A_64 = arith.constant 4 : i32
    %eq3A_65 = arith.constant 0 : i32
    %eq3A_66 = arith.cmpi eq, %jit3A_64, %eq3A_65 : i32
    %jit3A_67 = arith.constant 1 : i32
    %select_n3A_68 = arith.select %eq3A_66, %jit3A_67, %jit3A_64 : i32
    %rem3A_69 = arith.remsi %select_n3A_30, %select_n3A_68 : i32
    %ne3A_70 = arith.constant 0 : i32
    %ne3A_71 = arith.cmpi ne, %rem3A_69, %ne3A_70 : i32
    %lt3A_72 = arith.constant 0 : i32
    %lt3A_73 = arith.cmpi slt, %rem3A_69, %lt3A_72 : i32
    %lt3A_74 = arith.constant 0 : i32
    %lt3A_75 = arith.cmpi slt, %select_n3A_68, %lt3A_74 : i32
    %ne3A_76 = arith.xori %lt3A_73, %lt3A_75 : i1
    %and3A_77 = arith.andi %ne3A_76, %ne3A_71 : i1
    %add3A_78 = arith.addi %rem3A_69, %select_n3A_68 : i32
    %select_n3A_79 = arith.select %and3A_77, %add3A_78, %rem3A_69 : i32
    %mul3A_80 = arith.constant 128 : i32
    %mul3A_81 = arith.muli %select_n3A_79, %mul3A_80 : i32
    %add3A_82 = arith.addi %mul3A_63, %mul3A_81 : i32
    %jit3A_83 = arith.constant 64 : i32
    %div3A_84 = arith.divsi %add3A_82, %jit3A_83 : i32
    %sign3A_85 = arith.constant 0 : i32
    %sign3A_86 = arith.cmpi sgt, %add3A_82, %sign3A_85 : i32
    %sign3A_87 = arith.extui %sign3A_86 : i1 to i32
    %sign3A_88 = arith.constant 0 : i32
    %sign3A_89 = arith.cmpi slt, %add3A_82, %sign3A_88 : i32
    %sign3A_90 = arith.extui %sign3A_89 : i1 to i32
    %sign3A_91 = arith.subi %sign3A_87, %sign3A_90 : i32
    %sign3A_92 = arith.constant 0 : i32
    %sign3A_93 = arith.cmpi sgt, %jit3A_83, %sign3A_92 : i32
    %sign3A_94 = arith.extui %sign3A_93 : i1 to i32
    %sign3A_95 = arith.constant 0 : i32
    %sign3A_96 = arith.cmpi slt, %jit3A_83, %sign3A_95 : i32
    %sign3A_97 = arith.extui %sign3A_96 : i1 to i32
    %sign3A_98 = arith.subi %sign3A_94, %sign3A_97 : i32
    %ne3A_99 = arith.cmpi ne, %sign3A_91, %sign3A_98 : i32
    %rem3A_100 = arith.remsi %add3A_82, %jit3A_83 : i32
    %ne3A_101 = arith.constant 0 : i32
    %ne3A_102 = arith.cmpi ne, %rem3A_100, %ne3A_101 : i32
    %and3A_103 = arith.andi %ne3A_99, %ne3A_102 : i1
    %sub3A_104 = arith.constant 1 : i32
    %sub3A_105 = arith.subi %div3A_84, %sub3A_104 : i32
    %select_n3A_106 = arith.select %and3A_103, %sub3A_105, %div3A_84 : i32
    %mul3A_107 = arith.constant 128 : i32
    %mul3A_108 = arith.muli %add3A, %mul3A_107 : i32
    "tpu.region"() ({
      %run_scoped3A = tpu.sem_alloc : memref<!tpu.dma_semaphore, #tpu.memory_space<semaphore_mem>>
      %dma_start3A_345 = arith.constant 0 : i32
      %dma_start3A_346 = arith.constant 0 : i32
      %dma_start3A_347 = tpu.memref_slice %arg3[%select_n3A_106, %dma_start3A_345, %dma_start3A_346] : memref<128x2x32xi32, #tpu.memory_space<hbm>> -> memref<2x2x32xi32, #tpu.memory_space<hbm>>
      %dma_start3A_348 = arith.constant 0 : i32
      %dma_start3A_349 = arith.constant 0 : i32
      %dma_start3A_350 = tpu.memref_slice %arg3[%select_n3A_106, %dma_start3A_348, %dma_start3A_349] : memref<128x2x32xi32, #tpu.memory_space<hbm>> -> memref<2x2x32xi32, #tpu.memory_space<hbm>>
      tpu.enqueue_dma source(%dma_start3A_350 : memref<2x2x32xi32, #tpu.memory_space<hbm>>) target(%arg5 : memref<2x2x32xi32, #tpu.memory_space<vmem>>) target_semaphore(%run_scoped3A : memref<!tpu.dma_semaphore, #tpu.memory_space<semaphore_mem>>)
      %dma_wait3A_351 = arith.constant 0 : i32
      %dma_wait3A_352 = arith.constant 0 : i32
      %dma_wait3A_353 = tpu.memref_slice %arg3[%select_n3A_106, %dma_wait3A_351, %dma_wait3A_352] : memref<128x2x32xi32, #tpu.memory_space<hbm>> -> memref<2x2x32xi32, #tpu.memory_space<hbm>>
      %dma_wait3A_354 = arith.constant 0 : i32
      %dma_wait3A_355 = arith.constant 0 : i32
      %dma_wait3A_356 = tpu.memref_slice %arg3[%select_n3A_106, %dma_wait3A_354, %dma_wait3A_355] : memref<128x2x32xi32, #tpu.memory_space<hbm>> -> memref<2x2x32xi32, #tpu.memory_space<hbm>>
      tpu.wait_dma2 semaphore(%run_scoped3A : memref<!tpu.dma_semaphore, #tpu.memory_space<semaphore_mem>>) src(%dma_wait3A_356 : memref<2x2x32xi32, #tpu.memory_space<hbm>>) dst(%arg5 : memref<2x2x32xi32, #tpu.memory_space<vmem>>)
      tpu.yield
    }) : () -> ()
    %get3A = arith.constant 0 : i32
    %get3A_109 = arith.constant 0 : i32
    %get3A_110 = arith.index_cast %get3A : i32 to index
    %get3A_111 = arith.index_cast %get3A_109 : i32 to index
    %get3A_112 = arith.constant 0 : index
    %get3A_113 = tpu.vector_load %arg5[%get3A_110, %get3A_111, %get3A_112] {strides = array<i32>} : memref<2x2x32xi32, #tpu.memory_space<vmem>>, vector<1x1x16xi32>,
    %get3A_114 = vector.shape_cast %get3A_113 : vector<1x1x16xi32> to vector<16xi32>
    %add3A_115 = vector.broadcast %mul3A_32 : i32 to vector<16xi32>
    %add3A_116 = arith.addi %get3A_114, %add3A_115 : vector<16xi32>
    %swap3A = arith.constant 0 : i32
    %swap3A_117 = arith.constant 0 : i32
    %swap3A_118 = arith.index_cast %swap3A : i32 to index
    %swap3A_119 = arith.index_cast %swap3A_117 : i32 to index
    %swap3A_120 = arith.constant 0 : index
    %swap3A_121 = tpu.vector_load %arg5[%swap3A_118, %swap3A_119, %swap3A_120] {strides = array<i32>} : memref<2x2x32xi32, #tpu.memory_space<vmem>>, vector<1x1x16xi32>,
    %swap3A_122 = vector.shape_cast %swap3A_121 : vector<1x1x16xi32> to vector<16xi32>
    %swap3A_123 = vector.shape_cast %add3A_116 : vector<16xi32> to vector<1x1x16xi32>
    tpu.vector_store %arg5[%swap3A_118, %swap3A_119, %swap3A_120], %swap3A_123 {strides = array<i32>} : memref<2x2x32xi32, #tpu.memory_space<vmem>>, vector<1x1x16xi32>,
    %get3A_124 = arith.constant 0 : i32
    %get3A_125 = arith.constant 0 : i32
    %get3A_126 = arith.index_cast %get3A_124 : i32 to index
    %get3A_127 = arith.index_cast %get3A_125 : i32 to index
    %get3A_128 = arith.constant 16 : index
    %get3A_129 = tpu.vector_load %arg5[%get3A_126, %get3A_127, %get3A_128] {strides = array<i32>} : memref<2x2x32xi32, #tpu.memory_space<vmem>>, vector<1x1x16xi32>,
    %get3A_130 = vector.shape_cast %get3A_129 : vector<1x1x16xi32> to vector<16xi32>
    %add3A_131 = vector.broadcast %mul3A_32 : i32 to vector<16xi32>
    %add3A_132 = arith.addi %get3A_130, %add3A_131 : vector<16xi32>
    %swap3A_133 = arith.constant 0 : i32
    %swap3A_134 = arith.constant 0 : i32
    %swap3A_135 = arith.index_cast %swap3A_133 : i32 to index
    %swap3A_136 = arith.index_cast %swap3A_134 : i32 to index
    %swap3A_137 = arith.constant 16 : index
    %swap3A_138 = tpu.vector_load %arg5[%swap3A_135, %swap3A_136, %swap3A_137] {strides = array<i32>} : memref<2x2x32xi32, #tpu.memory_space<vmem>>, vector<1x1x16xi32>,
    %swap3A_139 = vector.shape_cast %swap3A_138 : vector<1x1x16xi32> to vector<16xi32>
    %swap3A_140 = vector.shape_cast %add3A_132 : vector<16xi32> to vector<1x1x16xi32>
    tpu.vector_store %arg5[%swap3A_135, %swap3A_136, %swap3A_137], %swap3A_140 {strides = array<i32>} : memref<2x2x32xi32, #tpu.memory_space<vmem>>, vector<1x1x16xi32>,
    %get3A_141 = arith.constant 0 : i32
    %get3A_142 = arith.constant 1 : i32
    %get3A_143 = arith.index_cast %get3A_141 : i32 to index
    %get3A_144 = arith.index_cast %get3A_142 : i32 to index
    %get3A_145 = arith.constant 0 : index
    %get3A_146 = tpu.vector_load %arg5[%get3A_143, %get3A_144, %get3A_145] {strides = array<i32>} : memref<2x2x32xi32, #tpu.memory_space<vmem>>, vector<1x1x16xi32>,
    %get3A_147 = vector.shape_cast %get3A_146 : vector<1x1x16xi32> to vector<16xi32>
    %add3A_148 = vector.broadcast %mul3A_32 : i32 to vector<16xi32>
    %add3A_149 = arith.addi %get3A_147, %add3A_148 : vector<16xi32>
    %swap3A_150 = arith.constant 0 : i32
    %swap3A_151 = arith.constant 1 : i32
    %swap3A_152 = arith.index_cast %swap3A_150 : i32 to index
    %swap3A_153 = arith.index_cast %swap3A_151 : i32 to index
    %swap3A_154 = arith.constant 0 : index
    %swap3A_155 = tpu.vector_load %arg5[%swap3A_152, %swap3A_153, %swap3A_154] {strides = array<i32>} : memref<2x2x32xi32, #tpu.memory_space<vmem>>, vector<1x1x16xi32>,
    %swap3A_156 = vector.shape_cast %swap3A_155 : vector<1x1x16xi32> to vector<16xi32>
    %swap3A_157 = vector.shape_cast %add3A_149 : vector<16xi32> to vector<1x1x16xi32>
    tpu.vector_store %arg5[%swap3A_152, %swap3A_153, %swap3A_154], %swap3A_157 {strides = array<i32>} : memref<2x2x32xi32, #tpu.memory_space<vmem>>, vector<1x1x16xi32>,
    %get3A_158 = arith.constant 0 : i32
    %get3A_159 = arith.constant 1 : i32
    %get3A_160 = arith.index_cast %get3A_158 : i32 to index
    %get3A_161 = arith.index_cast %get3A_159 : i32 to index
    %get3A_162 = arith.constant 16 : index
    %get3A_163 = tpu.vector_load %arg5[%get3A_160, %get3A_161, %get3A_162] {strides = array<i32>} : memref<2x2x32xi32, #tpu.memory_space<vmem>>, vector<1x1x16xi32>,
    %get3A_164 = vector.shape_cast %get3A_163 : vector<1x1x16xi32> to vector<16xi32>
    %add3A_165 = vector.broadcast %mul3A_32 : i32 to vector<16xi32>
    %add3A_166 = arith.addi %get3A_164, %add3A_165 : vector<16xi32>
    %swap3A_167 = arith.constant 0 : i32
    %swap3A_168 = arith.constant 1 : i32
    %swap3A_169 = arith.index_cast %swap3A_167 : i32 to index
    %swap3A_170 = arith.index_cast %swap3A_168 : i32 to index
    %swap3A_171 = arith.constant 16 : index
    %swap3A_172 = tpu.vector_load %arg5[%swap3A_169, %swap3A_170, %swap3A_171] {strides = array<i32>} : memref<2x2x32xi32, #tpu.memory_space<vmem>>, vector<1x1x16xi32>,
    %swap3A_173 = vector.shape_cast %swap3A_172 : vector<1x1x16xi32> to vector<16xi32>
    %swap3A_174 = vector.shape_cast %add3A_166 : vector<16xi32> to vector<1x1x16xi32>
    tpu.vector_store %arg5[%swap3A_169, %swap3A_170, %swap3A_171], %swap3A_174 {strides = array<i32>} : memref<2x2x32xi32, #tpu.memory_space<vmem>>, vector<1x1x16xi32>,
    %get3A_175 = arith.constant 1 : i32
    %get3A_176 = arith.constant 0 : i32
    %get3A_177 = arith.index_cast %get3A_175 : i32 to index
    %get3A_178 = arith.index_cast %get3A_176 : i32 to index
    %get3A_179 = arith.constant 0 : index
    %get3A_180 = tpu.vector_load %arg5[%get3A_177, %get3A_178, %get3A_179] {strides = array<i32>} : memref<2x2x32xi32, #tpu.memory_space<vmem>>, vector<1x1x16xi32>,
    %get3A_181 = vector.shape_cast %get3A_180 : vector<1x1x16xi32> to vector<16xi32>
    %add3A_182 = vector.broadcast %mul3A_32 : i32 to vector<16xi32>
    %add3A_183 = arith.addi %get3A_181, %add3A_182 : vector<16xi32>
    %swap3A_184 = arith.constant 1 : i32
    %swap3A_185 = arith.constant 0 : i32
    %swap3A_186 = arith.index_cast %swap3A_184 : i32 to index
    %swap3A_187 = arith.index_cast %swap3A_185 : i32 to index
    %swap3A_188 = arith.constant 0 : index
    %swap3A_189 = tpu.vector_load %arg5[%swap3A_186, %swap3A_187, %swap3A_188] {strides = array<i32>} : memref<2x2x32xi32, #tpu.memory_space<vmem>>, vector<1x1x16xi32>,
    %swap3A_190 = vector.shape_cast %swap3A_189 : vector<1x1x16xi32> to vector<16xi32>
    %swap3A_191 = vector.shape_cast %add3A_183 : vector<16xi32> to vector<1x1x16xi32>
    tpu.vector_store %arg5[%swap3A_186, %swap3A_187, %swap3A_188], %swap3A_191 {strides = array<i32>} : memref<2x2x32xi32, #tpu.memory_space<vmem>>, vector<1x1x16xi32>,
    %get3A_192 = arith.constant 1 : i32
    %get3A_193 = arith.constant 0 : i32
    %get3A_194 = arith.index_cast %get3A_192 : i32 to index
    %get3A_195 = arith.index_cast %get3A_193 : i32 to index
    %get3A_196 = arith.constant 16 : index
    %get3A_197 = tpu.vector_load %arg5[%get3A_194, %get3A_195, %get3A_196] {strides = array<i32>} : memref<2x2x32xi32, #tpu.memory_space<vmem>>, vector<1x1x16xi32>,
    %get3A_198 = vector.shape_cast %get3A_197 : vector<1x1x16xi32> to vector<16xi32>
    %add3A_199 = vector.broadcast %mul3A_32 : i32 to vector<16xi32>
    %add3A_200 = arith.addi %get3A_198, %add3A_199 : vector<16xi32>
    %swap3A_201 = arith.constant 1 : i32
    %swap3A_202 = arith.constant 0 : i32
    %swap3A_203 = arith.index_cast %swap3A_201 : i32 to index
    %swap3A_204 = arith.index_cast %swap3A_202 : i32 to index
    %swap3A_205 = arith.constant 16 : index
    %swap3A_206 = tpu.vector_load %arg5[%swap3A_203, %swap3A_204, %swap3A_205] {strides = array<i32>} : memref<2x2x32xi32, #tpu.memory_space<vmem>>, vector<1x1x16xi32>,
    %swap3A_207 = vector.shape_cast %swap3A_206 : vector<1x1x16xi32> to vector<16xi32>
    %swap3A_208 = vector.shape_cast %add3A_200 : vector<16xi32> to vector<1x1x16xi32>
    tpu.vector_store %arg5[%swap3A_203, %swap3A_204, %swap3A_205], %swap3A_208 {strides = array<i32>} : memref<2x2x32xi32, #tpu.memory_space<vmem>>, vector<1x1x16xi32>,
    %get3A_209 = arith.constant 1 : i32
    %get3A_210 = arith.constant 1 : i32
    %get3A_211 = arith.index_cast %get3A_209 : i32 to index
    %get3A_212 = arith.index_cast %get3A_210 : i32 to index
    %get3A_213 = arith.constant 0 : index
    %get3A_214 = tpu.vector_load %arg5[%get3A_211, %get3A_212, %get3A_213] {strides = array<i32>} : memref<2x2x32xi32, #tpu.memory_space<vmem>>, vector<1x1x16xi32>,
    %get3A_215 = vector.shape_cast %get3A_214 : vector<1x1x16xi32> to vector<16xi32>
    %add3A_216 = vector.broadcast %mul3A_32 : i32 to vector<16xi32>
    %add3A_217 = arith.addi %get3A_215, %add3A_216 : vector<16xi32>
    %swap3A_218 = arith.constant 1 : i32
    %swap3A_219 = arith.constant 1 : i32
    %swap3A_220 = arith.index_cast %swap3A_218 : i32 to index
    %swap3A_221 = arith.index_cast %swap3A_219 : i32 to index
    %swap3A_222 = arith.constant 0 : index
    %swap3A_223 = tpu.vector_load %arg5[%swap3A_220, %swap3A_221, %swap3A_222] {strides = array<i32>} : memref<2x2x32xi32, #tpu.memory_space<vmem>>, vector<1x1x16xi32>,
    %swap3A_224 = vector.shape_cast %swap3A_223 : vector<1x1x16xi32> to vector<16xi32>
    %swap3A_225 = vector.shape_cast %add3A_217 : vector<16xi32> to vector<1x1x16xi32>
    tpu.vector_store %arg5[%swap3A_220, %swap3A_221, %swap3A_222], %swap3A_225 {strides = array<i32>} : memref<2x2x32xi32, #tpu.memory_space<vmem>>, vector<1x1x16xi32>,
    %get3A_226 = arith.constant 1 : i32
    %get3A_227 = arith.constant 1 : i32
    %get3A_228 = arith.index_cast %get3A_226 : i32 to index
    %get3A_229 = arith.index_cast %get3A_227 : i32 to index
    %get3A_230 = arith.constant 16 : index
    %get3A_231 = tpu.vector_load %arg5[%get3A_228, %get3A_229, %get3A_230] {strides = array<i32>} : memref<2x2x32xi32, #tpu.memory_space<vmem>>, vector<1x1x16xi32>,
    %get3A_232 = vector.shape_cast %get3A_231 : vector<1x1x16xi32> to vector<16xi32>
    %add3A_233 = vector.broadcast %mul3A_32 : i32 to vector<16xi32>
    %add3A_234 = arith.addi %get3A_232, %add3A_233 : vector<16xi32>
    %swap3A_235 = arith.constant 1 : i32
    %swap3A_236 = arith.constant 1 : i32
    %swap3A_237 = arith.index_cast %swap3A_235 : i32 to index
    %swap3A_238 = arith.index_cast %swap3A_236 : i32 to index
    %swap3A_239 = arith.constant 16 : index
    %swap3A_240 = tpu.vector_load %arg5[%swap3A_237, %swap3A_238, %swap3A_239] {strides = array<i32>} : memref<2x2x32xi32, #tpu.memory_space<vmem>>, vector<1x1x16xi32>,
    %swap3A_241 = vector.shape_cast %swap3A_240 : vector<1x1x16xi32> to vector<16xi32>
    %swap3A_242 = vector.shape_cast %add3A_234 : vector<16xi32> to vector<1x1x16xi32>
    tpu.vector_store %arg5[%swap3A_237, %swap3A_238, %swap3A_239], %swap3A_242 {strides = array<i32>} : memref<2x2x32xi32, #tpu.memory_space<vmem>>, vector<1x1x16xi32>,
    %dma_start3A = arith.constant 0 : i32
    %dma_start3A_243 = arith.constant 0 : i32
    %dma_start3A_244 = arith.constant 0 : i32
    %dma_start3A_245 = tpu.memref_slice %arg5[%dma_start3A, %dma_start3A_243, %dma_start3A_244] : memref<2x2x32xi32, #tpu.memory_space<vmem>> -> memref<1x1x32xi32, #tpu.memory_space<vmem>>
    %dma_start3A_246 = tpu.memref_squeeze %dma_start3A_245 : memref<1x1x32xi32, #tpu.memory_space<vmem>> -> memref<32xi32, #tpu.memory_space<vmem>>
    %dma_start3A_247 = arith.constant 0 : i32
    %dma_start3A_248 = arith.constant 0 : i32
    %dma_start3A_249 = tpu.memref_slice %arg2[%dma_start3A_247, %dma_start3A_248] : memref<4096x1024xf32, #tpu.memory_space<hbm>> -> memref<4096x1024xf32, #tpu.memory_space<hbm>>
    tpu.enqueue_indirect_dma source(%dma_start3A_249 : memref<4096x1024xf32, #tpu.memory_space<hbm>>) target(%arg6 : memref<32x1024xf32, #tpu.memory_space<vmem>>) offsets(%dma_start3A_246 : memref<32xi32, #tpu.memory_space<vmem>>) semaphore(%arg8 : memref<!tpu.dma_semaphore, #tpu.memory_space<semaphore_mem>>)
    %dma_start3A_250 = arith.constant 0 : i32
    %dma_start3A_251 = arith.constant 1 : i32
    %dma_start3A_252 = arith.constant 0 : i32
    %dma_start3A_253 = tpu.memref_slice %arg5[%dma_start3A_250, %dma_start3A_251, %dma_start3A_252] : memref<2x2x32xi32, #tpu.memory_space<vmem>> -> memref<1x1x32xi32, #tpu.memory_space<vmem>>
    %dma_start3A_254 = tpu.memref_squeeze %dma_start3A_253 : memref<1x1x32xi32, #tpu.memory_space<vmem>> -> memref<32xi32, #tpu.memory_space<vmem>>
    %dma_start3A_255 = arith.constant 0 : i32
    %dma_start3A_256 = arith.constant 0 : i32
    %dma_start3A_257 = tpu.memref_slice %arg2[%dma_start3A_255, %dma_start3A_256] : memref<4096x1024xf32, #tpu.memory_space<hbm>> -> memref<4096x1024xf32, #tpu.memory_space<hbm>>
    tpu.enqueue_indirect_dma source(%dma_start3A_257 : memref<4096x1024xf32, #tpu.memory_space<hbm>>) target(%arg7 : memref<32x1024xf32, #tpu.memory_space<vmem>>) offsets(%dma_start3A_254 : memref<32xi32, #tpu.memory_space<vmem>>) semaphore(%arg9 : memref<!tpu.dma_semaphore, #tpu.memory_space<semaphore_mem>>)
    %dma_wait3A = arith.constant 0 : i32
    %dma_wait3A_258 = arith.constant 0 : i32
    %dma_wait3A_259 = arith.constant 0 : i32
    %dma_wait3A_260 = tpu.memref_slice %arg5[%dma_wait3A, %dma_wait3A_258, %dma_wait3A_259] : memref<2x2x32xi32, #tpu.memory_space<vmem>> -> memref<1x1x32xi32, #tpu.memory_space<vmem>>
    %dma_wait3A_261 = tpu.memref_squeeze %dma_wait3A_260 : memref<1x1x32xi32, #tpu.memory_space<vmem>> -> memref<32xi32, #tpu.memory_space<vmem>>
    %dma_wait3A_262 = arith.constant 0 : i32
    %dma_wait3A_263 = arith.constant 0 : i32
    %dma_wait3A_264 = tpu.memref_slice %arg2[%dma_wait3A_262, %dma_wait3A_263] : memref<4096x1024xf32, #tpu.memory_space<hbm>> -> memref<4096x1024xf32, #tpu.memory_space<hbm>>
    tpu.wait_indirect_dma semaphore(%arg8 : memref<!tpu.dma_semaphore, #tpu.memory_space<semaphore_mem>>) src(%dma_wait3A_264 : memref<4096x1024xf32, #tpu.memory_space<hbm>>) dst(%arg6 : memref<32x1024xf32, #tpu.memory_space<vmem>>)
    %add3A_265 = arith.constant 0 : i32
    %add3A_266 = arith.addi %mul3A_108, %add3A_265 : i32
    %dma_start3A_267 = arith.constant 0 : i32
    %dma_start3A_268 = tpu.memref_slice %arg4[%add3A_266, %dma_start3A_267] : memref<4096x1024xf32, #tpu.memory_space<hbm>> -> memref<32x1024xf32, #tpu.memory_space<hbm>>
    %dma_start3A_269 = arith.constant 0 : i32
    %dma_start3A_270 = tpu.memref_slice %arg4[%add3A_266, %dma_start3A_269] : memref<4096x1024xf32, #tpu.memory_space<hbm>> -> memref<32x1024xf32, #tpu.memory_space<hbm>>
    tpu.enqueue_dma source(%arg6 : memref<32x1024xf32, #tpu.memory_space<vmem>>) target(%dma_start3A_270 : memref<32x1024xf32, #tpu.memory_space<hbm>>) target_semaphore(%arg10 : memref<!tpu.dma_semaphore, #tpu.memory_space<semaphore_mem>>)
    %dma_wait3A_271 = arith.constant 0 : i32
    %dma_wait3A_272 = tpu.memref_slice %arg4[%add3A_266, %dma_wait3A_271] : memref<4096x1024xf32, #tpu.memory_space<hbm>> -> memref<32x1024xf32, #tpu.memory_space<hbm>>
    %dma_wait3A_273 = arith.constant 0 : i32
    %dma_wait3A_274 = tpu.memref_slice %arg4[%add3A_266, %dma_wait3A_273] : memref<4096x1024xf32, #tpu.memory_space<hbm>> -> memref<32x1024xf32, #tpu.memory_space<hbm>>
    tpu.wait_dma2 semaphore(%arg10 : memref<!tpu.dma_semaphore, #tpu.memory_space<semaphore_mem>>) src(%arg6 : memref<32x1024xf32, #tpu.memory_space<vmem>>) dst(%dma_wait3A_274 : memref<32x1024xf32, #tpu.memory_space<hbm>>)
    %dma_start3A_275 = arith.constant 1 : i32
    %dma_start3A_276 = arith.constant 0 : i32
    %dma_start3A_277 = arith.constant 0 : i32
    %dma_start3A_278 = tpu.memref_slice %arg5[%dma_start3A_275, %dma_start3A_276, %dma_start3A_277] : memref<2x2x32xi32, #tpu.memory_space<vmem>> -> memref<1x1x32xi32, #tpu.memory_space<vmem>>
    %dma_start3A_279 = tpu.memref_squeeze %dma_start3A_278 : memref<1x1x32xi32, #tpu.memory_space<vmem>> -> memref<32xi32, #tpu.memory_space<vmem>>
    %dma_start3A_280 = arith.constant 0 : i32
    %dma_start3A_281 = arith.constant 0 : i32
    %dma_start3A_282 = tpu.memref_slice %arg2[%dma_start3A_280, %dma_start3A_281] : memref<4096x1024xf32, #tpu.memory_space<hbm>> -> memref<4096x1024xf32, #tpu.memory_space<hbm>>
    tpu.enqueue_indirect_dma source(%dma_start3A_282 : memref<4096x1024xf32, #tpu.memory_space<hbm>>) target(%arg6 : memref<32x1024xf32, #tpu.memory_space<vmem>>) offsets(%dma_start3A_279 : memref<32xi32, #tpu.memory_space<vmem>>) semaphore(%arg8 : memref<!tpu.dma_semaphore, #tpu.memory_space<semaphore_mem>>)
    %dma_wait3A_283 = arith.constant 0 : i32
    %dma_wait3A_284 = arith.constant 1 : i32
    %dma_wait3A_285 = arith.constant 0 : i32
    %dma_wait3A_286 = tpu.memref_slice %arg5[%dma_wait3A_283, %dma_wait3A_284, %dma_wait3A_285] : memref<2x2x32xi32, #tpu.memory_space<vmem>> -> memref<1x1x32xi32, #tpu.memory_space<vmem>>
    %dma_wait3A_287 = tpu.memref_squeeze %dma_wait3A_286 : memref<1x1x32xi32, #tpu.memory_space<vmem>> -> memref<32xi32, #tpu.memory_space<vmem>>
    %dma_wait3A_288 = arith.constant 0 : i32
    %dma_wait3A_289 = arith.constant 0 : i32
    %dma_wait3A_290 = tpu.memref_slice %arg2[%dma_wait3A_288, %dma_wait3A_289] : memref<4096x1024xf32, #tpu.memory_space<hbm>> -> memref<4096x1024xf32, #tpu.memory_space<hbm>>
    tpu.wait_indirect_dma semaphore(%arg9 : memref<!tpu.dma_semaphore, #tpu.memory_space<semaphore_mem>>) src(%dma_wait3A_290 : memref<4096x1024xf32, #tpu.memory_space<hbm>>) dst(%arg7 : memref<32x1024xf32, #tpu.memory_space<vmem>>)
    %add3A_291 = arith.constant 32 : i32
    %add3A_292 = arith.addi %mul3A_108, %add3A_291 : i32
    %dma_start3A_293 = arith.constant 0 : i32
    %dma_start3A_294 = tpu.memref_slice %arg4[%add3A_292, %dma_start3A_293] : memref<4096x1024xf32, #tpu.memory_space<hbm>> -> memref<32x1024xf32, #tpu.memory_space<hbm>>
    %dma_start3A_295 = arith.constant 0 : i32
    %dma_start3A_296 = tpu.memref_slice %arg4[%add3A_292, %dma_start3A_295] : memref<4096x1024xf32, #tpu.memory_space<hbm>> -> memref<32x1024xf32, #tpu.memory_space<hbm>>
    tpu.enqueue_dma source(%arg7 : memref<32x1024xf32, #tpu.memory_space<vmem>>) target(%dma_start3A_296 : memref<32x1024xf32, #tpu.memory_space<hbm>>) target_semaphore(%arg11 : memref<!tpu.dma_semaphore, #tpu.memory_space<semaphore_mem>>)
    %dma_wait3A_297 = arith.constant 0 : i32
    %dma_wait3A_298 = tpu.memref_slice %arg4[%add3A_292, %dma_wait3A_297] : memref<4096x1024xf32, #tpu.memory_space<hbm>> -> memref<32x1024xf32, #tpu.memory_space<hbm>>
    %dma_wait3A_299 = arith.constant 0 : i32
    %dma_wait3A_300 = tpu.memref_slice %arg4[%add3A_292, %dma_wait3A_299] : memref<4096x1024xf32, #tpu.memory_space<hbm>> -> memref<32x1024xf32, #tpu.memory_space<hbm>>
    tpu.wait_dma2 semaphore(%arg11 : memref<!tpu.dma_semaphore, #tpu.memory_space<semaphore_mem>>) src(%arg7 : memref<32x1024xf32, #tpu.memory_space<vmem>>) dst(%dma_wait3A_300 : memref<32x1024xf32, #tpu.memory_space<hbm>>)
    %dma_start3A_301 = arith.constant 1 : i32
    %dma_start3A_302 = arith.constant 1 : i32
    %dma_start3A_303 = arith.constant 0 : i32
    %dma_start3A_304 = tpu.memref_slice %arg5[%dma_start3A_301, %dma_start3A_302, %dma_start3A_303] : memref<2x2x32xi32, #tpu.memory_space<vmem>> -> memref<1x1x32xi32, #tpu.memory_space<vmem>>
    %dma_start3A_305 = tpu.memref_squeeze %dma_start3A_304 : memref<1x1x32xi32, #tpu.memory_space<vmem>> -> memref<32xi32, #tpu.memory_space<vmem>>
    %dma_start3A_306 = arith.constant 0 : i32
    %dma_start3A_307 = arith.constant 0 : i32
    %dma_start3A_308 = tpu.memref_slice %arg2[%dma_start3A_306, %dma_start3A_307] : memref<4096x1024xf32, #tpu.memory_space<hbm>> -> memref<4096x1024xf32, #tpu.memory_space<hbm>>
    tpu.enqueue_indirect_dma source(%dma_start3A_308 : memref<4096x1024xf32, #tpu.memory_space<hbm>>) target(%arg7 : memref<32x1024xf32, #tpu.memory_space<vmem>>) offsets(%dma_start3A_305 : memref<32xi32, #tpu.memory_space<vmem>>) semaphore(%arg9 : memref<!tpu.dma_semaphore, #tpu.memory_space<semaphore_mem>>)
    %dma_wait3A_309 = arith.constant 1 : i32
    %dma_wait3A_310 = arith.constant 0 : i32
    %dma_wait3A_311 = arith.constant 0 : i32
    %dma_wait3A_312 = tpu.memref_slice %arg5[%dma_wait3A_309, %dma_wait3A_310, %dma_wait3A_311] : memref<2x2x32xi32, #tpu.memory_space<vmem>> -> memref<1x1x32xi32, #tpu.memory_space<vmem>>
    %dma_wait3A_313 = tpu.memref_squeeze %dma_wait3A_312 : memref<1x1x32xi32, #tpu.memory_space<vmem>> -> memref<32xi32, #tpu.memory_space<vmem>>
    %dma_wait3A_314 = arith.constant 0 : i32
    %dma_wait3A_315 = arith.constant 0 : i32
    %dma_wait3A_316 = tpu.memref_slice %arg2[%dma_wait3A_314, %dma_wait3A_315] : memref<4096x1024xf32, #tpu.memory_space<hbm>> -> memref<4096x1024xf32, #tpu.memory_space<hbm>>
    tpu.wait_indirect_dma semaphore(%arg8 : memref<!tpu.dma_semaphore, #tpu.memory_space<semaphore_mem>>) src(%dma_wait3A_316 : memref<4096x1024xf32, #tpu.memory_space<hbm>>) dst(%arg6 : memref<32x1024xf32, #tpu.memory_space<vmem>>)
    %add3A_317 = arith.constant 64 : i32
    %add3A_318 = arith.addi %mul3A_108, %add3A_317 : i32
    %dma_start3A_319 = arith.constant 0 : i32
    %dma_start3A_320 = tpu.memref_slice %arg4[%add3A_318, %dma_start3A_319] : memref<4096x1024xf32, #tpu.memory_space<hbm>> -> memref<32x1024xf32, #tpu.memory_space<hbm>>
    %dma_start3A_321 = arith.constant 0 : i32
    %dma_start3A_322 = tpu.memref_slice %arg4[%add3A_318, %dma_start3A_321] : memref<4096x1024xf32, #tpu.memory_space<hbm>> -> memref<32x1024xf32, #tpu.memory_space<hbm>>
    tpu.enqueue_dma source(%arg6 : memref<32x1024xf32, #tpu.memory_space<vmem>>) target(%dma_start3A_322 : memref<32x1024xf32, #tpu.memory_space<hbm>>) target_semaphore(%arg10 : memref<!tpu.dma_semaphore, #tpu.memory_space<semaphore_mem>>)
    %dma_wait3A_323 = arith.constant 1 : i32
    %dma_wait3A_324 = arith.constant 1 : i32
    %dma_wait3A_325 = arith.constant 0 : i32
    %dma_wait3A_326 = tpu.memref_slice %arg5[%dma_wait3A_323, %dma_wait3A_324, %dma_wait3A_325] : memref<2x2x32xi32, #tpu.memory_space<vmem>> -> memref<1x1x32xi32, #tpu.memory_space<vmem>>
    %dma_wait3A_327 = tpu.memref_squeeze %dma_wait3A_326 : memref<1x1x32xi32, #tpu.memory_space<vmem>> -> memref<32xi32, #tpu.memory_space<vmem>>
    %dma_wait3A_328 = arith.constant 0 : i32
    %dma_wait3A_329 = arith.constant 0 : i32
    %dma_wait3A_330 = tpu.memref_slice %arg2[%dma_wait3A_328, %dma_wait3A_329] : memref<4096x1024xf32, #tpu.memory_space<hbm>> -> memref<4096x1024xf32, #tpu.memory_space<hbm>>
    tpu.wait_indirect_dma semaphore(%arg9 : memref<!tpu.dma_semaphore, #tpu.memory_space<semaphore_mem>>) src(%dma_wait3A_330 : memref<4096x1024xf32, #tpu.memory_space<hbm>>) dst(%arg7 : memref<32x1024xf32, #tpu.memory_space<vmem>>)
    %add3A_331 = arith.constant 96 : i32
    %add3A_332 = arith.addi %mul3A_108, %add3A_331 : i32
    %dma_start3A_333 = arith.constant 0 : i32
    %dma_start3A_334 = tpu.memref_slice %arg4[%add3A_332, %dma_start3A_333] : memref<4096x1024xf32, #tpu.memory_space<hbm>> -> memref<32x1024xf32, #tpu.memory_space<hbm>>
    %dma_start3A_335 = arith.constant 0 : i32
    %dma_start3A_336 = tpu.memref_slice %arg4[%add3A_332, %dma_start3A_335] : memref<4096x1024xf32, #tpu.memory_space<hbm>> -> memref<32x1024xf32, #tpu.memory_space<hbm>>
    tpu.enqueue_dma source(%arg7 : memref<32x1024xf32, #tpu.memory_space<vmem>>) target(%dma_start3A_336 : memref<32x1024xf32, #tpu.memory_space<hbm>>) target_semaphore(%arg11 : memref<!tpu.dma_semaphore, #tpu.memory_space<semaphore_mem>>)
    %dma_wait3A_337 = arith.constant 0 : i32
    %dma_wait3A_338 = tpu.memref_slice %arg4[%add3A_318, %dma_wait3A_337] : memref<4096x1024xf32, #tpu.memory_space<hbm>> -> memref<32x1024xf32, #tpu.memory_space<hbm>>
    %dma_wait3A_339 = arith.constant 0 : i32
    %dma_wait3A_340 = tpu.memref_slice %arg4[%add3A_318, %dma_wait3A_339] : memref<4096x1024xf32, #tpu.memory_space<hbm>> -> memref<32x1024xf32, #tpu.memory_space<hbm>>
    tpu.wait_dma2 semaphore(%arg10 : memref<!tpu.dma_semaphore, #tpu.memory_space<semaphore_mem>>) src(%arg6 : memref<32x1024xf32, #tpu.memory_space<vmem>>) dst(%dma_wait3A_340 : memref<32x1024xf32, #tpu.memory_space<hbm>>)
    %dma_wait3A_341 = arith.constant 0 : i32
    %dma_wait3A_342 = tpu.memref_slice %arg4[%add3A_332, %dma_wait3A_341] : memref<4096x1024xf32, #tpu.memory_space<hbm>> -> memref<32x1024xf32, #tpu.memory_space<hbm>>
    %dma_wait3A_343 = arith.constant 0 : i32
    %dma_wait3A_344 = tpu.memref_slice %arg4[%add3A_332, %dma_wait3A_343] : memref<4096x1024xf32, #tpu.memory_space<hbm>> -> memref<32x1024xf32, #tpu.memory_space<hbm>>
    tpu.wait_dma2 semaphore(%arg11 : memref<!tpu.dma_semaphore, #tpu.memory_space<semaphore_mem>>) src(%arg7 : memref<32x1024xf32, #tpu.memory_space<vmem>>) dst(%dma_wait3A_344 : memref<32x1024xf32, #tpu.memory_space<hbm>>)
    return
  }
}

module attributes {stable_mosaic.version = 14 : i64} {
  func.func @mm_kernel(%arg0: i32, %arg1: memref<2x8x512x512xf32, #tpu.memory_space<any>>, %arg2: memref<2x1x512x1024xf32, #tpu.memory_space<vmem>>, %arg3: memref<1x1024x512xf32, #tpu.memory_space<vmem>>, %arg4: memref<2x1x512x512xf32, #tpu.memory_space<vmem>>) attributes {dimension_semantics = [#tpu.dimension_semantics<arbitrary>], iteration_bounds = array<i64: 4>, scalar_prefetch = 0 : i64, scratch_operands = 0 : i64, tpu.core_type = #tpu.core_type<tc>, window_params = [{}, {transform_indices = @transform_1, window_bounds = array<i64: 2, 1, 512, 1024>}, {transform_indices = @transform_2, window_bounds = array<i64: 1, 1024, 512>}, {transform_indices = @transform_3, window_bounds = array<i64: 2, 1, 512, 512>}]} {
    %get3A = arith.constant 0 : index
    %get3A_0 = arith.constant 0 : index
    %get3A_1 = arith.constant 0 : index
    %get3A_2 = arith.constant 0 : index
    %get3A_3 = vector.load %arg2[%get3A, %get3A_0, %get3A_1, %get3A_2] : memref<2x1x512x1024xf32, #tpu.memory_space<vmem>>, vector<1x1x512x1024xf32>
    %get3A_4 = vector.shape_cast %get3A_3 : vector<1x1x512x1024xf32> to vector<512x1024xf32>
    %get3A_5 = arith.constant 0 : index
    %get3A_6 = arith.constant 0 : index
    %get3A_7 = arith.constant 0 : index
    %get3A_8 = vector.load %arg3[%get3A_5, %get3A_6, %get3A_7] : memref<1x1024x512xf32, #tpu.memory_space<vmem>>, vector<1x1024x512xf32>
    %get3A_9 = vector.shape_cast %get3A_8 : vector<1x1024x512xf32> to vector<1024x512xf32>
    %dot_general3A = arith.constant dense<0.000000e+00> : vector<512x512xf32>
    %dot_general3A_10 = tpu.matmul %get3A_4, %get3A_9, %dot_general3A {dimension_numbers = #tpu.dot_dimension_numbers<[1], [0], [0], [1], [0, 0, 1, 1], [], []>, transpose_lhs_hint = false} : vector<512x1024xf32>, vector<1024x512xf32>, vector<512x512xf32> -> vector<512x512xf32>
    %swap3A = arith.constant 0 : index
    %swap3A_11 = arith.constant 0 : index
    %swap3A_12 = arith.constant 0 : index
    %swap3A_13 = arith.constant 0 : index
    %swap3A_14 = vector.load %arg4[%swap3A, %swap3A_11, %swap3A_12, %swap3A_13] : memref<2x1x512x512xf32, #tpu.memory_space<vmem>>, vector<1x1x512x512xf32>
    %swap3A_15 = vector.shape_cast %swap3A_14 : vector<1x1x512x512xf32> to vector<512x512xf32>
    %swap3A_16 = vector.shape_cast %dot_general3A_10 : vector<512x512xf32> to vector<1x1x512x512xf32>
    tpu.vector_store %arg4[%swap3A, %swap3A_11, %swap3A_12, %swap3A_13], %swap3A_16 {strides = array<i32>} : memref<2x1x512x512xf32, #tpu.memory_space<vmem>>, vector<1x1x512x512xf32>,
    %get3A_17 = arith.constant 1 : index
    %get3A_18 = arith.constant 0 : index
    %get3A_19 = arith.constant 0 : index
    %get3A_20 = arith.constant 0 : index
    %get3A_21 = vector.load %arg2[%get3A_17, %get3A_18, %get3A_19, %get3A_20] : memref<2x1x512x1024xf32, #tpu.memory_space<vmem>>, vector<1x1x512x1024xf32>
    %get3A_22 = vector.shape_cast %get3A_21 : vector<1x1x512x1024xf32> to vector<512x1024xf32>
    %get3A_23 = arith.constant 0 : index
    %get3A_24 = arith.constant 0 : index
    %get3A_25 = arith.constant 0 : index
    %get3A_26 = vector.load %arg3[%get3A_23, %get3A_24, %get3A_25] : memref<1x1024x512xf32, #tpu.memory_space<vmem>>, vector<1x1024x512xf32>
    %get3A_27 = vector.shape_cast %get3A_26 : vector<1x1024x512xf32> to vector<1024x512xf32>
    %dot_general3A_28 = arith.constant dense<0.000000e+00> : vector<512x512xf32>
    %dot_general3A_29 = tpu.matmul %get3A_22, %get3A_27, %dot_general3A_28 {dimension_numbers = #tpu.dot_dimension_numbers<[1], [0], [0], [1], [0, 0, 1, 1], [], []>, transpose_lhs_hint = false} : vector<512x1024xf32>, vector<1024x512xf32>, vector<512x512xf32> -> vector<512x512xf32>
    %swap3A_30 = arith.constant 1 : index
    %swap3A_31 = arith.constant 0 : index
    %swap3A_32 = arith.constant 0 : index
    %swap3A_33 = arith.constant 0 : index
    %swap3A_34 = vector.load %arg4[%swap3A_30, %swap3A_31, %swap3A_32, %swap3A_33] : memref<2x1x512x512xf32, #tpu.memory_space<vmem>>, vector<1x1x512x512xf32>
    %swap3A_35 = vector.shape_cast %swap3A_34 : vector<1x1x512x512xf32> to vector<512x512xf32>
    %swap3A_36 = vector.shape_cast %dot_general3A_29 : vector<512x512xf32> to vector<1x1x512x512xf32>
    tpu.vector_store %arg4[%swap3A_30, %swap3A_31, %swap3A_32, %swap3A_33], %swap3A_36 {strides = array<i32>} : memref<2x1x512x512xf32, #tpu.memory_space<vmem>>, vector<1x1x512x512xf32>,
    return
  }
  func.func @transform_1(%arg0: i32) -> (i32, i32, i32, i32) {
    %c0_i32 = arith.constant 0 : i32
    %c0_i32_0 = arith.constant 0 : i32
    %c0_i32_1 = arith.constant 0 : i32
    %c0_i32_2 = arith.constant 0 : i32
    return %c0_i32, %arg0, %c0_i32_0, %c0_i32_1 : i32, i32, i32, i32
  }
  func.func @transform_2(%arg0: i32) -> (i32, i32, i32) {
    %add3A = arith.constant 2 : i32
    %add3A_0 = arith.addi %add3A, %arg0 : i32
    %c0_i32 = arith.constant 0 : i32
    %c0_i32_1 = arith.constant 0 : i32
    %c0_i32_2 = arith.constant 0 : i32
    return %add3A_0, %c0_i32, %c0_i32_1 : i32, i32, i32
  }
  func.func @transform_3(%arg0: i32) -> (i32, i32, i32, i32) {
    %add3A = arith.constant 2 : i32
    %add3A_0 = arith.addi %add3A, %arg0 : i32
    %c0_i32 = arith.constant 0 : i32
    %c0_i32_1 = arith.constant 0 : i32
    %c0_i32_2 = arith.constant 0 : i32
    %c0_i32_3 = arith.constant 0 : i32
    return %c0_i32, %add3A_0, %c0_i32_1, %c0_i32_2 : i32, i32, i32, i32
  }
}

module attributes {stable_mosaic.version = 14 : i64} {
  func.func @mm_kernel(%arg0: i32, %arg1: memref<2x1x512x1024xf32, #tpu.memory_space<vmem>>, %arg2: memref<1x1024x512xf32, #tpu.memory_space<vmem>>, %arg3: memref<2x1x512x512xf32, #tpu.memory_space<vmem>>) attributes {dimension_semantics = [#tpu.dimension_semantics<arbitrary>], iteration_bounds = array<i64: 2>, scalar_prefetch = 0 : i64, scratch_operands = 0 : i64, tpu.core_type = #tpu.core_type<tc>, window_params = [{transform_indices = @transform_0, window_bounds = array<i64: 2, 1, 512, 1024>}, {transform_indices = @transform_1, window_bounds = array<i64: 1, 1024, 512>}, {transform_indices = @transform_2, window_bounds = array<i64: 2, 1, 512, 512>}]} {
    %get3A = arith.constant 0 : index
    %get3A_0 = arith.constant 0 : index
    %get3A_1 = arith.constant 0 : index
    %get3A_2 = arith.constant 0 : index
    %get3A_3 = vector.load %arg1[%get3A, %get3A_0, %get3A_1, %get3A_2] : memref<2x1x512x1024xf32, #tpu.memory_space<vmem>>, vector<1x1x512x1024xf32>
    %get3A_4 = vector.shape_cast %get3A_3 : vector<1x1x512x1024xf32> to vector<512x1024xf32>
    %get3A_5 = arith.constant 0 : index
    %get3A_6 = arith.constant 0 : index
    %get3A_7 = arith.constant 0 : index
    %get3A_8 = vector.load %arg2[%get3A_5, %get3A_6, %get3A_7] : memref<1x1024x512xf32, #tpu.memory_space<vmem>>, vector<1x1024x512xf32>
    %get3A_9 = vector.shape_cast %get3A_8 : vector<1x1024x512xf32> to vector<1024x512xf32>
    %dot_general3A = arith.constant dense<0.000000e+00> : vector<512x512xf32>
    %dot_general3A_10 = tpu.matmul %get3A_4, %get3A_9, %dot_general3A {dimension_numbers = #tpu.dot_dimension_numbers<[1], [0], [0], [1], [0, 0, 1, 1], [], []>, transpose_lhs_hint = false} : vector<512x1024xf32>, vector<1024x512xf32>, vector<512x512xf32> -> vector<512x512xf32>
    %swap3A = arith.constant 0 : index
    %swap3A_11 = arith.constant 0 : index
    %swap3A_12 = arith.constant 0 : index
    %swap3A_13 = arith.constant 0 : index
    %swap3A_14 = vector.load %arg3[%swap3A, %swap3A_11, %swap3A_12, %swap3A_13] : memref<2x1x512x512xf32, #tpu.memory_space<vmem>>, vector<1x1x512x512xf32>
    %swap3A_15 = vector.shape_cast %swap3A_14 : vector<1x1x512x512xf32> to vector<512x512xf32>
    %swap3A_16 = vector.shape_cast %dot_general3A_10 : vector<512x512xf32> to vector<1x1x512x512xf32>
    tpu.vector_store %arg3[%swap3A, %swap3A_11, %swap3A_12, %swap3A_13], %swap3A_16 {strides = array<i32>} : memref<2x1x512x512xf32, #tpu.memory_space<vmem>>, vector<1x1x512x512xf32>,
    %get3A_17 = arith.constant 1 : index
    %get3A_18 = arith.constant 0 : index
    %get3A_19 = arith.constant 0 : index
    %get3A_20 = arith.constant 0 : index
    %get3A_21 = vector.load %arg1[%get3A_17, %get3A_18, %get3A_19, %get3A_20] : memref<2x1x512x1024xf32, #tpu.memory_space<vmem>>, vector<1x1x512x1024xf32>
    %get3A_22 = vector.shape_cast %get3A_21 : vector<1x1x512x1024xf32> to vector<512x1024xf32>
    %get3A_23 = arith.constant 0 : index
    %get3A_24 = arith.constant 0 : index
    %get3A_25 = arith.constant 0 : index
    %get3A_26 = vector.load %arg2[%get3A_23, %get3A_24, %get3A_25] : memref<1x1024x512xf32, #tpu.memory_space<vmem>>, vector<1x1024x512xf32>
    %get3A_27 = vector.shape_cast %get3A_26 : vector<1x1024x512xf32> to vector<1024x512xf32>
    %dot_general3A_28 = arith.constant dense<0.000000e+00> : vector<512x512xf32>
    %dot_general3A_29 = tpu.matmul %get3A_22, %get3A_27, %dot_general3A_28 {dimension_numbers = #tpu.dot_dimension_numbers<[1], [0], [0], [1], [0, 0, 1, 1], [], []>, transpose_lhs_hint = false} : vector<512x1024xf32>, vector<1024x512xf32>, vector<512x512xf32> -> vector<512x512xf32>
    %swap3A_30 = arith.constant 1 : index
    %swap3A_31 = arith.constant 0 : index
    %swap3A_32 = arith.constant 0 : index
    %swap3A_33 = arith.constant 0 : index
    %swap3A_34 = vector.load %arg3[%swap3A_30, %swap3A_31, %swap3A_32, %swap3A_33] : memref<2x1x512x512xf32, #tpu.memory_space<vmem>>, vector<1x1x512x512xf32>
    %swap3A_35 = vector.shape_cast %swap3A_34 : vector<1x1x512x512xf32> to vector<512x512xf32>
    %swap3A_36 = vector.shape_cast %dot_general3A_29 : vector<512x512xf32> to vector<1x1x512x512xf32>
    tpu.vector_store %arg3[%swap3A_30, %swap3A_31, %swap3A_32, %swap3A_33], %swap3A_36 {strides = array<i32>} : memref<2x1x512x512xf32, #tpu.memory_space<vmem>>, vector<1x1x512x512xf32>,
    return
  }
  func.func @transform_0(%arg0: i32) -> (i32, i32, i32, i32) {
    %c0_i32 = arith.constant 0 : i32
    %c0_i32_0 = arith.constant 0 : i32
    %c0_i32_1 = arith.constant 0 : i32
    %c0_i32_2 = arith.constant 0 : i32
    return %c0_i32, %arg0, %c0_i32_0, %c0_i32_1 : i32, i32, i32, i32
  }
  func.func @transform_1(%arg0: i32) -> (i32, i32, i32) {
    %add3A = arith.constant 0 : i32
    %add3A_0 = arith.addi %add3A, %arg0 : i32
    %c0_i32 = arith.constant 0 : i32
    %c0_i32_1 = arith.constant 0 : i32
    %c0_i32_2 = arith.constant 0 : i32
    return %add3A_0, %c0_i32, %c0_i32_1 : i32, i32, i32
  }
  func.func @transform_2(%arg0: i32) -> (i32, i32, i32, i32) {
    %add3A = arith.constant 0 : i32
    %add3A_0 = arith.addi %add3A, %arg0 : i32
    %c0_i32 = arith.constant 0 : i32
    %c0_i32_1 = arith.constant 0 : i32
    %c0_i32_2 = arith.constant 0 : i32
    %c0_i32_3 = arith.constant 0 : i32
    return %c0_i32, %add3A_0, %c0_i32_1, %c0_i32_2 : i32, i32, i32, i32
  }
}

module attributes {stable_mosaic.version = 14 : i64} {
  func.func @mm_kernel(%arg0: i32, %arg1: memref<2x8x512x512xf32, #tpu.memory_space<any>>, %arg2: memref<2x1x512x1024xf32, #tpu.memory_space<vmem>>, %arg3: memref<1x1024x512xf32, #tpu.memory_space<vmem>>, %arg4: memref<2x1x512x512xf32, #tpu.memory_space<vmem>>) attributes {dimension_semantics = [#tpu.dimension_semantics<arbitrary>], iteration_bounds = array<i64: 2>, scalar_prefetch = 0 : i64, scratch_operands = 0 : i64, tpu.core_type = #tpu.core_type<tc>, window_params = [{}, {transform_indices = @transform_1, window_bounds = array<i64: 2, 1, 512, 1024>}, {transform_indices = @transform_2, window_bounds = array<i64: 1, 1024, 512>}, {transform_indices = @transform_3, window_bounds = array<i64: 2, 1, 512, 512>}]} {
    %get3A = arith.constant 0 : index
    %get3A_0 = arith.constant 0 : index
    %get3A_1 = arith.constant 0 : index
    %get3A_2 = arith.constant 0 : index
    %get3A_3 = vector.load %arg2[%get3A, %get3A_0, %get3A_1, %get3A_2] : memref<2x1x512x1024xf32, #tpu.memory_space<vmem>>, vector<1x1x512x1024xf32>
    %get3A_4 = vector.shape_cast %get3A_3 : vector<1x1x512x1024xf32> to vector<512x1024xf32>
    %get3A_5 = arith.constant 0 : index
    %get3A_6 = arith.constant 0 : index
    %get3A_7 = arith.constant 0 : index
    %get3A_8 = vector.load %arg3[%get3A_5, %get3A_6, %get3A_7] : memref<1x1024x512xf32, #tpu.memory_space<vmem>>, vector<1x1024x512xf32>
    %get3A_9 = vector.shape_cast %get3A_8 : vector<1x1024x512xf32> to vector<1024x512xf32>
    %dot_general3A = arith.constant dense<0.000000e+00> : vector<512x512xf32>
    %dot_general3A_10 = tpu.matmul %get3A_4, %get3A_9, %dot_general3A {dimension_numbers = #tpu.dot_dimension_numbers<[1], [0], [0], [1], [0, 0, 1, 1], [], []>, transpose_lhs_hint = false} : vector<512x1024xf32>, vector<1024x512xf32>, vector<512x512xf32> -> vector<512x512xf32>
    %swap3A = arith.constant 0 : index
    %swap3A_11 = arith.constant 0 : index
    %swap3A_12 = arith.constant 0 : index
    %swap3A_13 = arith.constant 0 : index
    %swap3A_14 = vector.load %arg4[%swap3A, %swap3A_11, %swap3A_12, %swap3A_13] : memref<2x1x512x512xf32, #tpu.memory_space<vmem>>, vector<1x1x512x512xf32>
    %swap3A_15 = vector.shape_cast %swap3A_14 : vector<1x1x512x512xf32> to vector<512x512xf32>
    %swap3A_16 = vector.shape_cast %dot_general3A_10 : vector<512x512xf32> to vector<1x1x512x512xf32>
    tpu.vector_store %arg4[%swap3A, %swap3A_11, %swap3A_12, %swap3A_13], %swap3A_16 {strides = array<i32>} : memref<2x1x512x512xf32, #tpu.memory_space<vmem>>, vector<1x1x512x512xf32>,
    %get3A_17 = arith.constant 1 : index
    %get3A_18 = arith.constant 0 : index
    %get3A_19 = arith.constant 0 : index
    %get3A_20 = arith.constant 0 : index
    %get3A_21 = vector.load %arg2[%get3A_17, %get3A_18, %get3A_19, %get3A_20] : memref<2x1x512x1024xf32, #tpu.memory_space<vmem>>, vector<1x1x512x1024xf32>
    %get3A_22 = vector.shape_cast %get3A_21 : vector<1x1x512x1024xf32> to vector<512x1024xf32>
    %get3A_23 = arith.constant 0 : index
    %get3A_24 = arith.constant 0 : index
    %get3A_25 = arith.constant 0 : index
    %get3A_26 = vector.load %arg3[%get3A_23, %get3A_24, %get3A_25] : memref<1x1024x512xf32, #tpu.memory_space<vmem>>, vector<1x1024x512xf32>
    %get3A_27 = vector.shape_cast %get3A_26 : vector<1x1024x512xf32> to vector<1024x512xf32>
    %dot_general3A_28 = arith.constant dense<0.000000e+00> : vector<512x512xf32>
    %dot_general3A_29 = tpu.matmul %get3A_22, %get3A_27, %dot_general3A_28 {dimension_numbers = #tpu.dot_dimension_numbers<[1], [0], [0], [1], [0, 0, 1, 1], [], []>, transpose_lhs_hint = false} : vector<512x1024xf32>, vector<1024x512xf32>, vector<512x512xf32> -> vector<512x512xf32>
    %swap3A_30 = arith.constant 1 : index
    %swap3A_31 = arith.constant 0 : index
    %swap3A_32 = arith.constant 0 : index
    %swap3A_33 = arith.constant 0 : index
    %swap3A_34 = vector.load %arg4[%swap3A_30, %swap3A_31, %swap3A_32, %swap3A_33] : memref<2x1x512x512xf32, #tpu.memory_space<vmem>>, vector<1x1x512x512xf32>
    %swap3A_35 = vector.shape_cast %swap3A_34 : vector<1x1x512x512xf32> to vector<512x512xf32>
    %swap3A_36 = vector.shape_cast %dot_general3A_29 : vector<512x512xf32> to vector<1x1x512x512xf32>
    tpu.vector_store %arg4[%swap3A_30, %swap3A_31, %swap3A_32, %swap3A_33], %swap3A_36 {strides = array<i32>} : memref<2x1x512x512xf32, #tpu.memory_space<vmem>>, vector<1x1x512x512xf32>,
    return
  }
  func.func @transform_1(%arg0: i32) -> (i32, i32, i32, i32) {
    %c0_i32 = arith.constant 0 : i32
    %c0_i32_0 = arith.constant 0 : i32
    %c0_i32_1 = arith.constant 0 : i32
    %c0_i32_2 = arith.constant 0 : i32
    return %c0_i32, %arg0, %c0_i32_0, %c0_i32_1 : i32, i32, i32, i32
  }
  func.func @transform_2(%arg0: i32) -> (i32, i32, i32) {
    %add3A = arith.constant 6 : i32
    %add3A_0 = arith.addi %add3A, %arg0 : i32
    %c0_i32 = arith.constant 0 : i32
    %c0_i32_1 = arith.constant 0 : i32
    %c0_i32_2 = arith.constant 0 : i32
    return %add3A_0, %c0_i32, %c0_i32_1 : i32, i32, i32
  }
  func.func @transform_3(%arg0: i32) -> (i32, i32, i32, i32) {
    %add3A = arith.constant 6 : i32
    %add3A_0 = arith.addi %add3A, %arg0 : i32
    %c0_i32 = arith.constant 0 : i32
    %c0_i32_1 = arith.constant 0 : i32
    %c0_i32_2 = arith.constant 0 : i32
    %c0_i32_3 = arith.constant 0 : i32
    return %c0_i32, %add3A_0, %c0_i32_1, %c0_i32_2 : i32, i32, i32, i32
  }
}

</mosaic_0001>

<sc_bundles>
// kernel: kernel.11.cloned.1.call-start
scs
__scs_entry_jumppad:
0x0: {  	(pc) =	sbr.rel $0x88, $3  }
0x1: {  	(tag) =	ssettag $0x0;
	lr =	simm.s32 $0x1  }
0x2: {  	[smem:$0x3F9E] =	sst lr;
	_ =	strace $0xD0000000  }
0x3: {  	_ = 	snop  }
0x4: {  	_ = 	snop  }
0x5: {  	_ = 	snop  }
0x6: {  	_ = 	snop  }
0x7: {  	_ = 	snop  }
__scs_overlays_trampoline_lowered:
0x8: {  	[smem:$0x3FAD] =	sst s0  }
0x9: {  	[smem:$0x3FAE] =	sst s1  }
0xa: {  	[smem:$0x3FAF] =	sst s2  }
0xb: {  	[smem:$0x3FB0] =	sst s3  }
0xc: {  	[smem:$0x3FB1] =	sst s4  }
0xd: {  	[smem:$0x3FB2] =	sst s5  }
0xe: {  	[smem:$0x3FB3] =	sst s6  }
0xf: {  	[smem:$0x3FB4] =	sst s7  }
0x10: {  	[smem:$0x3FB5] =	sst s8  }
0x11: {  	[smem:$0x3FB6] =	sst s9;
	s0 =	simm.s32 @!p0 $0x0  }
0x12: {  	s1 =	sld [smem:$0x3F9C];
	s0 =	simm.s32 @p0 $0x1  }
0x13: {  	[smem:$0x3FB7] =	sst s0;
	s0 =	simm.s32 @!p1 $0x0  }
0x14: {  	s2 =	sld [smem:$0x3F9B];
	s0 =	simm.s32 @p1 $0x1  }
0x15: {  	[smem:$0x3FB8] =	sst s0;
	s0 =	simm.s32 @!p2 $0x0  }
0x16: {  	s3 =	sld [smem:$0x3FDB];
	s0 =	simm.s32 @p2 $0x1  }
0x17: {  	s4 =	simm.s32 $0x1BF5;
	[smem:$0x3FBA] =	sst s0  }
0x18: {  	s0 =	sld [smem:$0x3F9D];
	_ =	swait.ge [sflag:s4], $0x0  }
0x19: {  	s7 =	sld [smem:$0x3F9E]  }
0x1a: {  	s8 =	sadd.s32 $0xFFFFE003, lr  }
0x1b: {  	s9 =	sadd.s32 $0xFFFFFEF7, lr;
	s5 =	simm.s32 $0xFFFFFFFF;
	p2 =	slt.u32 s8, $0xFFFFF086  }
0x1c: {  	p1 =	slt.u32 s9, $0xF7A;
	s5 =	simm.s32 @!p2 $0x0  }
0x1d: {  	s5 =	simm.s32 @p1 $0x1;
	p0 =	seq.s32 s7, s2  }
0x1e: {  	s7 =	smul.u32 @!p0 $0xF7A, s2;
	p2 =	seq.s32 @!p0 s5, $0x0  }
0x1f: {  	s9 =	smul.u32 $0xF7A, s1;
	s8 =	simm.s32 @!p0 $0x1BF5;
	p2 =	por !p2, p0  }
0x20: {  	[sflag:s8] =	ssyncset.s32 @!p0 $0xFFFFF086;
	s6 =	sadd.s32 @!p0 s3, s7;
	s7 =	simm.s32 @!p0 $0x108  }
0x21: {  	s3 =	sadd.s32 s3, s9;
	s6 =	sadd.s32 @!p0 $0x88, s6;
	s7 =	simm.s32 @p2 $0x1082  }
0x22: {  	[simem:s7], [sflag:s8] =	dma.local @!p0 [hbm:s6], $0xF7A  }
0x23: {  	s9 =	sor.u32 $0xD0000000, s2;
	s6 =	simm.s32 $0x108;
	_ =	swait.ge @!p0 [sflag:s8], $0x0  }
0x24: {  	s3 =	sadd.s32 $0x88, s3;
	s6 =	simm.s32 @!p1 $0x1082;
	[sflag:s4] =	ssyncset.s32 $0xFFFFF086  }
0x25: {  	[simem:s6], [sflag:s4] =	dma.local [hbm:s3], $0xF7A  }
0x26: {  	[smem:$0x3F9E] =	sst s1;
	(tag) =	ssettag s2;
	_ =	strace s9  }
0x27: {  	s1 =	sld [smem:$0x3FAE]  }
0x28: {  	s2 =	sld [smem:$0x3FAF]  }
0x29: {  	s4 =	sld [smem:$0x3FB1]  }
0x2a: {  	p0 =	seq.s32 s5, $0x0;
	s5 =	sld [smem:$0x3FB2]  }
0x2b: {  	s6 =	sld [smem:$0x3FB3]  }
0x2c: {  	s7 =	sld [smem:$0x3FB4]  }
0x2d: {  	s3 =	simm.s32 $0x108;
	s8 =	sld [smem:$0x3FB5]  }
0x2e: {  	s3 =	simm.s32 @!p0 $0x1082;
	s9 =	sld [smem:$0x3FB6]  }
0x2f: {  	lr =	sadd.s32 s0, s3;
	s0 =	sld [smem:$0x3FAD]  }
0x30: {  	s3 =	sld [smem:$0x3FB0]  }
0x31: {  	[smem:$0x3FB9] =	sst s10  }
0x32: {  	s10 =	sld [smem:$0x3FB7];
	_ =	sdelay $0x3  }
0x33: {  	p0 =	seq.s32 s10, $0x1;
	s10 =	sld [smem:$0x3FB9];
	_ =	sdelay $0x3  }
0x34: {  	[smem:$0x3FB9] =	sst s10  }
0x35: {  	s10 =	sld [smem:$0x3FB8];
	_ =	sdelay $0x3  }
0x36: {  	p1 =	seq.s32 s10, $0x1;
	s10 =	sld [smem:$0x3FB9];
	_ =	sdelay $0x3  }
0x37: {  	[smem:$0x3FB9] =	sst s10  }
0x38: {  	s10 =	sld [smem:$0x3FBA]  }
0x39: {  	_ = 	snop;
	(pc) =	sbr.ind lr, $3  }
0x3a: {  	_ = 	snop  }
0x3b: {  	_ = 	snop  }
0x3c: {  	p2 =	seq.s32 s10, $0x1;
	s10 =	sld [smem:$0x3FB9]  }
0x3d: {  	_ =	shalt  }
0x3e: {  	_ =	shalt  }
0x3f: {  	_ =	shalt  }
0x40: {  	_ =	shalt  }
0x41: {  	_ =	shalt  }
0x42: {  	_ =	shalt  }
0x43: {  	_ =	shalt  }
0x44: {  	_ =	shalt  }
0x45: {  	_ =	shalt  }
0x46: {  	_ =	shalt  }
0x47: {  	_ =	shalt  }
0x48: {  	_ =	shalt  }
0x49: {  	_ =	shalt  }
0x4a: {  	_ =	shalt  }
0x4b: {  	_ =	shalt  }
0x4c: {  	_ =	shalt  }
0x4d: {  	_ =	shalt  }
0x4e: {  	_ =	shalt  }
0x4f: {  	_ =	shalt  }
0x50: {  	_ =	shalt  }
0x51: {  	_ =	shalt  }
0x52: {  	_ =	shalt  }
0x53: {  	_ =	shalt  }
0x54: {  	_ =	shalt  }
0x55: {  	_ =	shalt  }
0x56: {  	_ =	shalt  }
0x57: {  	_ =	shalt  }
0x58: {  	_ =	shalt  }
0x59: {  	_ =	shalt  }
0x5a: {  	_ =	shalt  }
0x5b: {  	_ =	shalt  }
0x5c: {  	_ =	shalt  }
0x5d: {  	_ =	shalt  }
0x5e: {  	_ =	shalt  }
0x5f: {  	_ =	shalt  }
0x60: {  	_ =	shalt  }
0x61: {  	_ =	shalt  }
0x62: {  	_ =	shalt  }
0x63: {  	_ =	shalt  }
0x64: {  	_ =	shalt  }
0x65: {  	_ =	shalt  }
0x66: {  	_ =	shalt  }
0x67: {  	_ =	shalt  }
0x68: {  	_ =	shalt  }
0x69: {  	_ =	shalt  }
0x6a: {  	_ =	shalt  }
0x6b: {  	_ =	shalt  }
0x6c: {  	_ =	shalt  }
0x6d: {  	_ =	shalt  }
0x6e: {  	_ =	shalt  }
0x6f: {  	_ =	shalt  }
0x70: {  	_ =	shalt  }
0x71: {  	_ =	shalt  }
0x72: {  	_ =	shalt  }
0x73: {  	_ =	shalt  }
0x74: {  	_ =	shalt  }
0x75: {  	_ =	shalt  }
0x76: {  	_ =	shalt  }
0x77: {  	_ =	shalt  }
0x78: {  	_ =	shalt  }
0x79: {  	_ =	shalt  }
0x7a: {  	_ =	shalt  }
0x7b: {  	_ =	shalt  }
0x7c: {  	_ =	shalt  }
0x7d: {  	_ =	shalt  }
0x7e: {  	_ =	shalt  }
0x7f: {  	_ =	shalt  }
0x80: {  	_ =	shalt  }
0x81: {  	_ =	shalt  }
0x82: {  	_ =	shalt  }
0x83: {  	_ =	shalt  }
0x84: {  	_ =	shalt  }
0x85: {  	_ =	shalt  }
0x86: {  	_ =	shalt  }
0x87: {  	_ =	shalt  }
.Lfunc_end0:
.L_simem_size_0:
called_computation.1_lowered:
.L_overlay_start_0:
0x88: {  	s2 =	sld [smem:$0x3FD9]  }
0x89: {  	s3 =	sld [smem:$0x3FFE];
	_ =	sdelay $0x1  }
0x8a: {  	s1 =	srdreg.scid  }
0x8b: {  	s0 =	sand.u32 $0x1, s1  }
0x8c: {  	s17 =	sshll.u32 s0, $0xA;
	s2 =	sadd.s32 s3, s2  }
0x8d: {  	s2 =	sadd.s32 s2, s17  }
0x8e: {  	[smem:$0x3FC5] =	sst s2  }
0x8f: {  	_ = 	snop  }
0x90: {  	s18 =	sld [smem:$0x3FC9];
	(tm) =	ssettm $0x1  }
0x91: {  	s19 =	sld [smem:$0x3FFB];
	_ =	sdelay $0x3  }
0x92: {  	_ =	strace s19  }
0x93: {  	s2 =	sld [smem:$0x3FFC];
	_ =	sdelay $0x3  }
0x94: {  	_ =	strace s2  }
0x95: {  	s2 =	sld [smem:$0x3FFD];
	_ =	sdelay $0x3  }
0x96: {  	_ =	strace s2  }
0x97: {  	_ =	strace $0x8FFFFFFF  }
0x98: {  	s20 =	sld [smem:$0x3FDB];
	_ =	sdelay $0x1  }
0x99: {  	s4 =	simm.s32 $_scs_section_size  }
0x9a: {  	s5 =	simm.s32 $_size__tile_overlayer_lowered;
	s6 =	simm.s32 $_tile_overlayer_lowered  }
0x9b: {  	s7 =	simm.s32 $0x1BFF;
	s21 =	sshll.u32 s6, $0x1;
	s4 =	sadd.s32 s4, s20  }
0x9c: {  	s22 =	simm.s32 $0x0;
	s5 =	sshll.u32 s5, $0x1;
	s6 =	sadd.s32 s21, s4  }
0x9d: {  	[timem:s22], [sflag:s7] =	dma.local [hbm:s6], s5  }
0x9e: {  	_ =	swait.ge [sflag:s7], s5  }
0x9f: {  	s5 =	ssub.s32 $0x0, s5;
	[sflag:s7] =	ssyncset.done $0x0  }
0xa0: {  	[sflag:s7] =	ssyncadd.s32 s5;
	_ =	sdelay $0x1  }
0xa1: {  	s23 =	simm.s32 $0x1B8B  }
0xa2: {  	_ =	swait.ge [sflag:s23], $0x1  }
0xa3: {  	[sflag:s23] =	ssyncset.done $0x0  }
0xa4: {  	[sflag:s23] =	ssyncadd.s32 $0xFFFFFFFF  }
0xa5: {  	s5 =	sld [smem:$0x0]  }
0xa6: {  	s6 =	sand.u32 $0xFFFFFFFE, s1  }
0xa7: {  	p0 =	sne.s32 s1, s6  }
0xa8: {  	s6 =	sshll.u32 @p0 s6, $0xE  }
0xa9: {  	s6 =	sadd.s32 @p0 $0x11B8D, s6;
	s7 =	sshll.u32 @p0 s5, $0x11  }
0xaa: {  	s6 =	sor.u32 @p0 s7, s6  }
0xab: {  	[sflag:s6] =	ssyncadd.remote.s32 @p0 $0x1;
	_ =	sdelay $0x1  }
0xac: {  	s6 =	simm.s32 @p0 $0x1B8D  }
0xad: {  	_ =	swait.eq @p0 [sflag:s6], $0x1  }
0xae: {  	[sflag:s6] =	ssyncadd.s32 @p0 $0xFFFFFFFF  }
0xaf: {  	s7 =	sshll.u32 @!p0 s1, $0xE  }
0xb0: {  	s7 =	sor.u32 @!p0 $0x4000, s7;
	s6 =	simm.s32 @!p0 $0x1B8D  }
0xb1: {  	s5 =	sshll.u32 @!p0 s5, $0x11;
	s7 =	sadd.s32 @!p0 $0x11B8D, s7;
	_ =	swait.eq @!p0 [sflag:s6], $0x1  }
0xb2: {  	s5 =	sor.u32 @!p0 s5, s7;
	[sflag:s6] =	ssyncadd.s32 @!p0 $0xFFFFFFFF  }
0xb3: {  	s25 =	simm.s32 $0x1B8E;
	s24 =	sld [smem:$0x3FFE];
	[sflag:s5] =	ssyncadd.remote.s32 @!p0 $0x1  }
0xb4: {  	s26 =	simm.s32 $execute0_lowered;
	[smem:$0x3FD2] =	sst s25  }
0xb5: {  	s6 =	sshll.u32 s26, $0x1;
	_ =	strace $0x80000049;
	[dreg:$0x1] =	wrdreg $0xFFFFFFFF  }
0xb6: {  	s28 =	simm.s32 $_size_execute0_lowered;
	s4 =	sadd.s32 s4, s6;
	[dreg:$0x0] =	wrdreg $0x0  }
0xb7: {  	s6 =	sshll.u32 s28, $0x1;
	[dreg:$0x2] =	wrdreg s4  }
0xb8: {  	[dreg:$0x3] =	wrdreg s6  }
0xb9: {  	[dreg:$0x4] =	wrdreg $0xC0  }
0xba: {  	_ =	task [dreg:s22], $0x5FFFF  }
0xbb: {  	[dreg:$0x1] =	wrdreg $0xFFFFFFFF  }
0xbc: {  	[dreg:$0x0] =	wrdreg $0x60  }
0xbd: {  	[dreg:$0x2] =	wrdreg s18  }
0xbe: {  	[dreg:$0x3] =	wrdreg s24  }
0xbf: {  	[dreg:$0x4] =	wrdreg $0xA  }
0xc0: {  	_ =	task.clear_ibuf [dreg:s22], $0x5FFFF;
	_ =	strace $0x90000049  }
0xc1: {  	s29 =	simm.s32 $0xA;
	_ =	strace $0x8000004B  }
0xc2: {  	_ =	swait.ge [sflag:s29], $0x1  }
0xc3: {  	[sflag:s29] =	ssyncadd.s32 $0xFFFFFFFF  }
0xc4: {  	_ =	strace $0x9000004B  }
0xc5: {  	_ =	sfence  }
0xc6: {  	s30 =	sld [smem:$0x0];
	_ =	sdelay $0x2  }
0xc7: {  	s31 =	sshll.u32 s1, $0xD;
	s1 =	sshrl.u32 s1, $0x2  }
0xc8: {  	s4 =	sand.u32 $0x4000, s31;
	s1 =	sadd.s32 s1, s30  }
0xc9: {  	s0 =	sor.u32 s4, s0;
	s1 =	sshll.u32 s1, $0x11  }
0xca: {  	s0 =	sor.u32 s1, s0  }
0xcb: {  	s0 =	sadd.s32 $0x8F2B, s0  }
0xcc: {  	[sflag:s0] =	ssyncadd.remote.s32 $0x1  }
0xcd: {  	_ =	sfence.sel $0xFFFF  }
0xce: {  	[dreg:$0x0] =	wrdreg $0xFFFFFFFF;
	(pc) =	sbr.abs _section_cstart, $3  }
0xcf: {  	[dreg:$0x1] =	wrdreg $0xFFFFFFFF  }
0xd0: {  	_ =	task.clear_ibuf [dreg:s22], $0x2FFFF;
	_ =	strace $0x9FFFFFFF  }
0xd1: {  	(tm) =	ssettm $0x7FFFFFFF  }
tec
execute0_lowered:
.L_overlay_start_1:
0x0: {  	(tag) =	ssettag $0x1  }
0x1: {  	s2 =	rddreg [dreg:$0x0]  }
0x2: {  	s0 =	srdreg.scid;
	s8 =	stileid.u32  }
0x3: {  	s1 =	rddreg [dreg:$0x1];
	s3 =	simm.s32 $0x0;
	s28 =	simm.s32 $0x2200  }
0x4: {  	s29 =	simm.s32 $0x2A00;
	s30 =	simm.s32 $0x3200;
	s31 =	simm.s32 $0x3A00  }
0x5: {  	s11 =	simm.s32 $0x5A00;
	s12 =	simm.s32 $0x6200;
	s13 =	simm.s32 $0x6A00  }
0x6: {  	s14 =	simm.s32 $0x7200;
	s15 =	simm.s32 $0x7A00;
	s18 =	simm.s32 $0x8200  }
0x7: {  	s17 =	simm.s32 $0x9200;
	s19 =	simm.s32 $0xAA00;
	s20 =	simm.s32 $0xB200  }
0x8: {  	s21 =	simm.s32 $0xBA00;
	s0 =	sand.u32 $0x1, s0;
	s4 =	sshll.u32 s8, $0x1  }
0x9: {  	[smem:$0x7FF] =	sst s3;
	s6 =	sshrl.u32 s8, $0x1;
	s7 =	sand.u32 $0x8, s8  }
0xa: {  	s23 =	sshll.u32 s8, $0x8;
	s4 =	sor.u32 s0, s4;
	s6 =	sand.u32 $0x3, s6  }
0xb: {  	_ =	strace $0x8000004A;
	s0 =	ssub.s32 $0x2, s0;
	s16 =	sand.u32 $0x800, s23  }
0xc: {  	s23 =	simm.s32 $0xA00;
	s5 =	sshll.u32 s4, $0x6;
	s6 =	sor.u32 s7, s6  }
0xd: {  	s4 =	sshll.u32 s4, $0xE;
	s22 =	sshrl.u32 s0, $0x1;
	s5 =	sand.u32 $0xC0, s5  }
0xe: {  	v0 =	vmov s16;
	s16 =	simm.s32 $0x8A00;
	s5 =	sadd.s32 s5, s1;
	s1 =	sadd.s32 s4, s1  }
0xf: {  	s6 =	sshll.u32 s6, $0x8;
	s0 =	ssub.s32 s0, s22;
	s24 =	sadd.s32 $0x2200, s1  }
0x10: {  	s4 =	sadd.s32 $0x100, s2;
	s25 =	sadd.s32 $0x3200, s1;
	[dreg:$0x4] =	wrdreg s24  }
0x11: {  	s7 =	smax.u32 s0, $0x1;
	s26 =	sadd.s32 $0x4200, s1;
	[dreg:$0x5] =	wrdreg s25  }
0x12: {  	s5 =	sadd.s32 s5, s6;
	s1 =	sadd.s32 $0x5200, s1;
	[dreg:$0x6] =	wrdreg s26  }
0x13: {  	v3 =	vlaneseq.u32;
	s6 =	sadd.s32 $0x300, s2;
	s5 =	sadd.s32 $0x1400, s5;
	[dreg:$0x7] =	wrdreg s1  }
0x14: {  	vm0 =	vmmov $0xffff;
	v2 =	vshrl.u32 v3, $0x3;
	s25 =	simm.s32 $0x200;
	s24 =	simm.s32 $0x1200;
	s26 =	simm.s32 $0x1A00  }
0x15: {  	v1 =	vand.u32 $0x7, v3;
	v3 =	vor.u32 $0x8, v3;
	v2 =	vmul.u32 $0x8, v2;
	s1 =	simm.s32 $0x3;
	[dreg:$0x3] =	wrdreg s5;
	s5 =	sadd.s32 $0x200, s2  }
.LBB2_1:
0x16: {  	s22 =	rddreg [dreg:$0x3];
	s0 =	simm.s32 $0x5  }
0x17: {  	[tilespmem:s3], [sflag:$0x5] =	stream.linear.gather [hbm4b:s22+s3], $0x200, $0x38;
	[tilespmem:$0x10200] =	vst v63  }
0x18: {  	_ =	swait.ge [sflag:s0], $0x200  }
0x19: {  	[sflag:s0] =	ssyncset.done $0x0  }
0x1a: {  	[sflag:s0] =	ssyncadd.s32 $0xFFFFFE00  }
0x1b: {  	v4 =	vld [tilespmem:$0x0];
	_ =	sdelay $0x2  }
0x1c: {  	v5 =	vld [tilespmem:$0x10]  }
0x1d: {  	v6 =	vld [tilespmem:$0x80]  }
0x1e: {  	v8 =	vld [tilespmem:$0x90];
	v7 =	vadd.s32 v0, v4  }
0x1f: {  	v9 =	vld [tilespmem:$0x100];
	v10 =	vshll.u32 v7, $0x3  }
0x20: {  	v11 =	vld [tilespmem:$0x110];
	v4 =	vand.u32 $0x7, v4;
	v10 =	vand.u32 $0xFFFFFFC0, v10  }
0x21: {  	v61 =	vld [tilespmem:$0x180];
	v5 =	vadd.s32 v0, v5;
	[tilespmem:$0x0] =	vst v7;
	v4 =	vor.u32 v4, v10  }
0x22: {  	v62 =	vld [tilespmem:$0x190];
	[tilespmem:$0x10] =	vst v5;
	v5 =	vadd.s32 v0, v6;
	v10 =	vperm.xlane v4, v1  }
0x23: {  	[tilespmem:$0x80] =	vst v5;
	v5 =	vadd.s32 v0, v8  }
0x24: {  	[tilespmem:$0x90] =	vst v5;
	v5 =	vadd.s32 v0, v9;
	v63 =	vadd.s32 v2, v10  }
0x25: {  	[tilespmem:$0x100] =	vst v5;
	v5 =	vadd.s32 v0, v11  }
0x26: {  	[tilespmem:$0x110] =	vst v5;
	v5 =	vadd.s32 v0, v61  }
0x27: {  	[tilespmem:$0x180] =	vst v5;
	v5 =	vadd.s32 v0, v62  }
0x28: {  	[tilespmem:$0x190] =	vst v5  }
0x29: {  	[tilespmem:s25], [sflag:$0x1] =	stream.indirect_vreg.gather [hbm4b:s2+s3], $0x80, v63, vm0, $0xb8;
	[tilespmem:$0x10200] =	vst v63  }
0x2a: {  	v4 =	vperm.xlane v4, v3  }
0x2b: {  	[tilespmem:s23], [sflag:$0x1] =	stream.indirect_vreg.gather [hbm4b:s4+s3], $0x80, v63, vm0, $0xb8;
	[tilespmem:$0x10200] =	vst v63  }
0x2c: {  	v4 =	vadd.s32 v2, v4  }
0x2d: {  	[tilespmem:s24], [sflag:$0x1] =	stream.indirect_vreg.gather [hbm4b:s5+s3], $0x80, v63, vm0, $0xb8;
	[tilespmem:$0x10200] =	vst v63  }
0x2e: {  	_ = 	snop  }
0x2f: {  	[tilespmem:s26], [sflag:$0x1] =	stream.indirect_vreg.gather [hbm4b:s6+s3], $0x80, v63, vm0, $0xb8;
	[tilespmem:$0x10200] =	vst v63  }
0x30: {  	_ = 	snop  }
0x31: {  	[tilespmem:s28], [sflag:$0x1] =	stream.indirect_vreg.gather [hbm4b:s2+s3], $0x80, v4, vm0, $0xb8;
	[tilespmem:$0x10200] =	vst v63  }
0x32: {  	_ = 	snop  }
0x33: {  	[tilespmem:s29], [sflag:$0x1] =	stream.indirect_vreg.gather [hbm4b:s4+s3], $0x80, v4, vm0, $0xb8;
	[tilespmem:$0x10200] =	vst v63  }
0x34: {  	_ = 	snop  }
0x35: {  	[tilespmem:s30], [sflag:$0x1] =	stream.indirect_vreg.gather [hbm4b:s5+s3], $0x80, v4, vm0, $0xb8;
	[tilespmem:$0x10200] =	vst v63  }
0x36: {  	_ = 	snop  }
0x37: {  	[tilespmem:s31], [sflag:$0x1] =	stream.indirect_vreg.gather [hbm4b:s6+s3], $0x80, v4, vm0, $0xb8;
	[tilespmem:$0x10200] =	vst v63  }
0x38: {  	v4 =	vld [tilespmem:$0x10];
	_ =	sdelay $0x4  }
0x39: {  	v5 =	vshll.u32 v4, $0x3  }
0x3a: {  	v4 =	vand.u32 $0x7, v4;
	v5 =	vand.u32 $0xFFFFFFC0, v5  }
0x3b: {  	v4 =	vor.u32 v4, v5  }
0x3c: {  	v5 =	vperm.xlane v4, v1;
	_ =	sdelay $0x1  }
0x3d: {  	v5 =	vadd.s32 v2, v5;
	_ =	sdelay $0x3  }
0x3e: {  	s9 =	simm.s32 $0x4200  }
0x3f: {  	[tilespmem:s9], [sflag:$0x1] =	stream.indirect_vreg.gather [hbm4b:s2+s3], $0x80, v5, vm0, $0xb8;
	[tilespmem:$0x10200] =	vst v63  }
0x40: {  	s8 =	simm.s32 $0x4A00;
	v4 =	vperm.xlane v4, v3  }
0x41: {  	[tilespmem:s8], [sflag:$0x1] =	stream.indirect_vreg.gather [hbm4b:s4+s3], $0x80, v5, vm0, $0xb8;
	[tilespmem:$0x10200] =	vst v63  }
0x42: {  	s10 =	simm.s32 $0x5200;
	v4 =	vadd.s32 v2, v4  }
0x43: {  	[tilespmem:s10], [sflag:$0x1] =	stream.indirect_vreg.gather [hbm4b:s5+s3], $0x80, v5, vm0, $0xb8;
	[tilespmem:$0x10200] =	vst v63  }
0x44: {  	_ = 	snop  }
0x45: {  	[tilespmem:s11], [sflag:$0x1] =	stream.indirect_vreg.gather [hbm4b:s6+s3], $0x80, v5, vm0, $0xb8;
	[tilespmem:$0x10200] =	vst v63  }
0x46: {  	_ = 	snop  }
0x47: {  	[tilespmem:s12], [sflag:$0x1] =	stream.indirect_vreg.gather [hbm4b:s2+s3], $0x80, v4, vm0, $0xb8;
	[tilespmem:$0x10200] =	vst v63  }
0x48: {  	_ = 	snop  }
0x49: {  	[tilespmem:s13], [sflag:$0x1] =	stream.indirect_vreg.gather [hbm4b:s4+s3], $0x80, v4, vm0, $0xb8;
	[tilespmem:$0x10200] =	vst v63  }
0x4a: {  	_ = 	snop  }
0x4b: {  	[tilespmem:s14], [sflag:$0x1] =	stream.indirect_vreg.gather [hbm4b:s5+s3], $0x80, v4, vm0, $0xb8;
	[tilespmem:$0x10200] =	vst v63  }
0x4c: {  	_ = 	snop  }
0x4d: {  	[tilespmem:s15], [sflag:$0x1] =	stream.indirect_vreg.gather [hbm4b:s6+s3], $0x80, v4, vm0, $0xb8;
	[tilespmem:$0x10200] =	vst v63  }
0x4e: {  	v4 =	vld [tilespmem:$0x80];
	_ =	sdelay $0x4  }
0x4f: {  	v5 =	vshll.u32 v4, $0x3  }
0x50: {  	v4 =	vand.u32 $0x7, v4;
	v5 =	vand.u32 $0xFFFFFFC0, v5  }
0x51: {  	v4 =	vor.u32 v4, v5  }
0x52: {  	v5 =	vperm.xlane v4, v1;
	_ =	sdelay $0x1  }
0x53: {  	v5 =	vadd.s32 v2, v5;
	_ =	sdelay $0x4  }
0x54: {  	[tilespmem:s18], [sflag:$0x2] =	stream.indirect_vreg.gather [hbm4b:s2+s3], $0x80, v5, vm0, $0xb8;
	[tilespmem:$0x10200] =	vst v63  }
0x55: {  	v4 =	vperm.xlane v4, v3  }
0x56: {  	[tilespmem:s16], [sflag:$0x2] =	stream.indirect_vreg.gather [hbm4b:s4+s3], $0x80, v5, vm0, $0xb8;
	[tilespmem:$0x10200] =	vst v63  }
0x57: {  	v4 =	vadd.s32 v2, v4  }
0x58: {  	[tilespmem:s17], [sflag:$0x2] =	stream.indirect_vreg.gather [hbm4b:s5+s3], $0x80, v5, vm0, $0xb8;
	[tilespmem:$0x10200] =	vst v63  }
0x59: {  	s22 =	simm.s32 $0x9A00  }
0x5a: {  	[tilespmem:s22], [sflag:$0x2] =	stream.indirect_vreg.gather [hbm4b:s6+s3], $0x80, v5, vm0, $0xb8;
	[tilespmem:$0x10200] =	vst v63  }
0x5b: {  	s22 =	simm.s32 $0xA200  }
0x5c: {  	[tilespmem:s22], [sflag:$0x2] =	stream.indirect_vreg.gather [hbm4b:s2+s3], $0x80, v4, vm0, $0xb8;
	[tilespmem:$0x10200] =	vst v63  }
0x5d: {  	_ = 	snop  }
0x5e: {  	[tilespmem:s19], [sflag:$0x2] =	stream.indirect_vreg.gather [hbm4b:s4+s3], $0x80, v4, vm0, $0xb8;
	[tilespmem:$0x10200] =	vst v63  }
0x5f: {  	_ = 	snop  }
0x60: {  	[tilespmem:s20], [sflag:$0x2] =	stream.indirect_vreg.gather [hbm4b:s5+s3], $0x80, v4, vm0, $0xb8;
	[tilespmem:$0x10200] =	vst v63  }
0x61: {  	_ = 	snop  }
0x62: {  	[tilespmem:s21], [sflag:$0x2] =	stream.indirect_vreg.gather [hbm4b:s6+s3], $0x80, v4, vm0, $0xb8;
	[tilespmem:$0x10200] =	vst v63  }
0x63: {  	v4 =	vld [tilespmem:$0x90];
	_ =	sdelay $0x4  }
0x64: {  	v5 =	vshll.u32 v4, $0x3  }
0x65: {  	v4 =	vand.u32 $0x7, v4;
	v5 =	vand.u32 $0xFFFFFFC0, v5  }
0x66: {  	v4 =	vor.u32 v4, v5  }
0x67: {  	v5 =	vperm.xlane v4, v1;
	_ =	sdelay $0x1  }
0x68: {  	v5 =	vadd.s32 v2, v5;
	_ =	sdelay $0x3  }
0x69: {  	s22 =	simm.s32 $0xC200  }
0x6a: {  	[tilespmem:s22], [sflag:$0x2] =	stream.indirect_vreg.gather [hbm4b:s2+s3], $0x80, v5, vm0, $0xb8;
	[tilespmem:$0x10200] =	vst v63  }
0x6b: {  	v4 =	vperm.xlane v4, v3;
	s22 =	simm.s32 $0xCA00  }
0x6c: {  	[tilespmem:s22], [sflag:$0x2] =	stream.indirect_vreg.gather [hbm4b:s4+s3], $0x80, v5, vm0, $0xb8;
	[tilespmem:$0x10200] =	vst v63  }
0x6d: {  	v4 =	vadd.s32 v2, v4;
	s22 =	simm.s32 $0xD200  }
0x6e: {  	[tilespmem:s22], [sflag:$0x2] =	stream.indirect_vreg.gather [hbm4b:s5+s3], $0x80, v5, vm0, $0xb8;
	[tilespmem:$0x10200] =	vst v63  }
0x6f: {  	s22 =	simm.s32 $0xDA00  }
0x70: {  	[tilespmem:s22], [sflag:$0x2] =	stream.indirect_vreg.gather [hbm4b:s6+s3], $0x80, v5, vm0, $0xb8;
	[tilespmem:$0x10200] =	vst v63  }
0x71: {  	s22 =	simm.s32 $0xE200  }
0x72: {  	[tilespmem:s22], [sflag:$0x2] =	stream.indirect_vreg.gather [hbm4b:s2+s3], $0x80, v4, vm0, $0xb8;
	[tilespmem:$0x10200] =	vst v63  }
0x73: {  	s22 =	simm.s32 $0xEA00  }
0x74: {  	[tilespmem:s22], [sflag:$0x2] =	stream.indirect_vreg.gather [hbm4b:s4+s3], $0x80, v4, vm0, $0xb8;
	[tilespmem:$0x10200] =	vst v63  }
0x75: {  	s22 =	simm.s32 $0xF200  }
0x76: {  	[tilespmem:s22], [sflag:$0x2] =	stream.indirect_vreg.gather [hbm4b:s5+s3], $0x80, v4, vm0, $0xb8;
	[tilespmem:$0x10200] =	vst v63  }
0x77: {  	s0 =	simm.s32 $0x1;
	s22 =	simm.s32 $0xFA00  }
0x78: {  	[tilespmem:s22], [sflag:$0x2] =	stream.indirect_vreg.gather [hbm4b:s6+s3], $0x80, v4, vm0, $0xb8;
	[tilespmem:$0x10200] =	vst v63  }
0x79: {  	_ =	swait.ge [sflag:s0], $0x8000  }
0x7a: {  	[sflag:s0] =	ssyncset.done $0x0  }
0x7b: {  	s22 =	rddreg [dreg:$0x4];
	[sflag:s0] =	ssyncadd.s32 $0xFFFF8000  }
0x7c: {  	[hbm4b:s22+s3] =	stream.linear.scatter [tilespmem:s25], [sflag:$0x3], $0x8000, $0x38;
	[tilespmem:$0x10200] =	vst v63  }
0x7d: {  	_ =	swait.ge [sflag:s1], $0x8000  }
0x7e: {  	[sflag:s1] =	ssyncset.done $0x0  }
0x7f: {  	[sflag:s1] =	ssyncadd.s32 $0xFFFF8000  }
0x80: {  	v4 =	vld [tilespmem:$0x100];
	_ =	sdelay $0x4  }
0x81: {  	v5 =	vshll.u32 v4, $0x3  }
0x82: {  	v4 =	vand.u32 $0x7, v4;
	v5 =	vand.u32 $0xFFFFFFC0, v5  }
0x83: {  	v4 =	vor.u32 v4, v5  }
0x84: {  	v5 =	vperm.xlane v4, v1;
	_ =	sdelay $0x1  }
0x85: {  	v5 =	vadd.s32 v2, v5;
	_ =	sdelay $0x4  }
0x86: {  	[tilespmem:s25], [sflag:$0x1] =	stream.indirect_vreg.gather [hbm4b:s2+s3], $0x80, v5, vm0, $0xb8;
	[tilespmem:$0x10200] =	vst v63  }
0x87: {  	v4 =	vperm.xlane v4, v3  }
0x88: {  	[tilespmem:s23], [sflag:$0x1] =	stream.indirect_vreg.gather [hbm4b:s4+s3], $0x80, v5, vm0, $0xb8;
	[tilespmem:$0x10200] =	vst v63  }
0x89: {  	v4 =	vadd.s32 v2, v4  }
0x8a: {  	[tilespmem:s24], [sflag:$0x1] =	stream.indirect_vreg.gather [hbm4b:s5+s3], $0x80, v5, vm0, $0xb8;
	[tilespmem:$0x10200] =	vst v63  }
0x8b: {  	_ = 	snop  }
0x8c: {  	[tilespmem:s26], [sflag:$0x1] =	stream.indirect_vreg.gather [hbm4b:s6+s3], $0x80, v5, vm0, $0xb8;
	[tilespmem:$0x10200] =	vst v63  }
0x8d: {  	_ = 	snop  }
0x8e: {  	[tilespmem:s28], [sflag:$0x1] =	stream.indirect_vreg.gather [hbm4b:s2+s3], $0x80, v4, vm0, $0xb8;
	[tilespmem:$0x10200] =	vst v63  }
0x8f: {  	_ = 	snop  }
0x90: {  	[tilespmem:s29], [sflag:$0x1] =	stream.indirect_vreg.gather [hbm4b:s4+s3], $0x80, v4, vm0, $0xb8;
	[tilespmem:$0x10200] =	vst v63  }
0x91: {  	_ = 	snop  }
0x92: {  	[tilespmem:s30], [sflag:$0x1] =	stream.indirect_vreg.gather [hbm4b:s5+s3], $0x80, v4, vm0, $0xb8;
	[tilespmem:$0x10200] =	vst v63  }
0x93: {  	_ = 	snop  }
0x94: {  	[tilespmem:s31], [sflag:$0x1] =	stream.indirect_vreg.gather [hbm4b:s6+s3], $0x80, v4, vm0, $0xb8;
	[tilespmem:$0x10200] =	vst v63  }
0x95: {  	v4 =	vld [tilespmem:$0x110];
	_ =	sdelay $0x4  }
0x96: {  	v5 =	vshll.u32 v4, $0x3  }
0x97: {  	v4 =	vand.u32 $0x7, v4;
	v5 =	vand.u32 $0xFFFFFFC0, v5  }
0x98: {  	v4 =	vor.u32 v4, v5  }
0x99: {  	v5 =	vperm.xlane v4, v1;
	_ =	sdelay $0x1  }
0x9a: {  	v5 =	vadd.s32 v2, v5;
	_ =	sdelay $0x4  }
0x9b: {  	[tilespmem:s9], [sflag:$0x1] =	stream.indirect_vreg.gather [hbm4b:s2+s3], $0x80, v5, vm0, $0xb8;
	[tilespmem:$0x10200] =	vst v63  }
0x9c: {  	v4 =	vperm.xlane v4, v3  }
0x9d: {  	[tilespmem:s8], [sflag:$0x1] =	stream.indirect_vreg.gather [hbm4b:s4+s3], $0x80, v5, vm0, $0xb8;
	[tilespmem:$0x10200] =	vst v63  }
0x9e: {  	v4 =	vadd.s32 v2, v4  }
0x9f: {  	[tilespmem:s10], [sflag:$0x1] =	stream.indirect_vreg.gather [hbm4b:s5+s3], $0x80, v5, vm0, $0xb8;
	[tilespmem:$0x10200] =	vst v63  }
0xa0: {  	_ = 	snop  }
0xa1: {  	[tilespmem:s11], [sflag:$0x1] =	stream.indirect_vreg.gather [hbm4b:s6+s3], $0x80, v5, vm0, $0xb8;
	[tilespmem:$0x10200] =	vst v63  }
0xa2: {  	_ = 	snop  }
0xa3: {  	[tilespmem:s12], [sflag:$0x1] =	stream.indirect_vreg.gather [hbm4b:s2+s3], $0x80, v4, vm0, $0xb8;
	[tilespmem:$0x10200] =	vst v63  }
0xa4: {  	_ = 	snop  }
0xa5: {  	[tilespmem:s13], [sflag:$0x1] =	stream.indirect_vreg.gather [hbm4b:s4+s3], $0x80, v4, vm0, $0xb8;
	[tilespmem:$0x10200] =	vst v63  }
0xa6: {  	_ = 	snop  }
0xa7: {  	[tilespmem:s14], [sflag:$0x1] =	stream.indirect_vreg.gather [hbm4b:s5+s3], $0x80, v4, vm0, $0xb8;
	[tilespmem:$0x10200] =	vst v63  }
0xa8: {  	s8 =	simm.s32 $0x2  }
0xa9: {  	[tilespmem:s15], [sflag:$0x1] =	stream.indirect_vreg.gather [hbm4b:s6+s3], $0x80, v4, vm0, $0xb8;
	[tilespmem:$0x10200] =	vst v63  }
0xaa: {  	_ =	swait.ge [sflag:s8], $0x8000  }
0xab: {  	[sflag:s8] =	ssyncset.done $0x0  }
0xac: {  	s9 =	simm.s32 $0x4;
	s10 =	rddreg [dreg:$0x5];
	[sflag:s8] =	ssyncadd.s32 $0xFFFF8000  }
0xad: {  	[hbm4b:s10+s3] =	stream.linear.scatter [tilespmem:s18], [sflag:$0x4], $0x8000, $0x38;
	[tilespmem:$0x10200] =	vst v63  }
0xae: {  	_ =	swait.ge [sflag:s9], $0x8000  }
0xaf: {  	[sflag:s9] =	ssyncset.done $0x0  }
0xb0: {  	[sflag:s9] =	ssyncadd.s32 $0xFFFF8000  }
0xb1: {  	v4 =	vld [tilespmem:$0x180];
	_ =	sdelay $0x4  }
0xb2: {  	v5 =	vshll.u32 v4, $0x3  }
0xb3: {  	v4 =	vand.u32 $0x7, v4;
	v5 =	vand.u32 $0xFFFFFFC0, v5  }
0xb4: {  	v4 =	vor.u32 v4, v5  }
0xb5: {  	v5 =	vperm.xlane v4, v1;
	_ =	sdelay $0x1  }
0xb6: {  	v5 =	vadd.s32 v2, v5;
	_ =	sdelay $0x4  }
0xb7: {  	[tilespmem:s18], [sflag:$0x2] =	stream.indirect_vreg.gather [hbm4b:s2+s3], $0x80, v5, vm0, $0xb8;
	[tilespmem:$0x10200] =	vst v63  }
0xb8: {  	v4 =	vperm.xlane v4, v3  }
0xb9: {  	[tilespmem:s16], [sflag:$0x2] =	stream.indirect_vreg.gather [hbm4b:s4+s3], $0x80, v5, vm0, $0xb8;
	[tilespmem:$0x10200] =	vst v63  }
0xba: {  	v4 =	vadd.s32 v2, v4  }
0xbb: {  	[tilespmem:s17], [sflag:$0x2] =	stream.indirect_vreg.gather [hbm4b:s5+s3], $0x80, v5, vm0, $0xb8;
	[tilespmem:$0x10200] =	vst v63  }
0xbc: {  	s22 =	simm.s32 $0x9A00  }
0xbd: {  	[tilespmem:s22], [sflag:$0x2] =	stream.indirect_vreg.gather [hbm4b:s6+s3], $0x80, v5, vm0, $0xb8;
	[tilespmem:$0x10200] =	vst v63  }
0xbe: {  	s22 =	simm.s32 $0xA200  }
0xbf: {  	[tilespmem:s22], [sflag:$0x2] =	stream.indirect_vreg.gather [hbm4b:s2+s3], $0x80, v4, vm0, $0xb8;
	[tilespmem:$0x10200] =	vst v63  }
0xc0: {  	_ = 	snop  }
0xc1: {  	[tilespmem:s19], [sflag:$0x2] =	stream.indirect_vreg.gather [hbm4b:s4+s3], $0x80, v4, vm0, $0xb8;
	[tilespmem:$0x10200] =	vst v63  }
0xc2: {  	_ = 	snop  }
0xc3: {  	[tilespmem:s20], [sflag:$0x2] =	stream.indirect_vreg.gather [hbm4b:s5+s3], $0x80, v4, vm0, $0xb8;
	[tilespmem:$0x10200] =	vst v63  }
0xc4: {  	_ = 	snop  }
0xc5: {  	[tilespmem:s21], [sflag:$0x2] =	stream.indirect_vreg.gather [hbm4b:s6+s3], $0x80, v4, vm0, $0xb8;
	[tilespmem:$0x10200] =	vst v63  }
0xc6: {  	v4 =	vld [tilespmem:$0x190];
	_ =	sdelay $0x4  }
0xc7: {  	v5 =	vshll.u32 v4, $0x3  }
0xc8: {  	v4 =	vand.u32 $0x7, v4;
	v5 =	vand.u32 $0xFFFFFFC0, v5  }
0xc9: {  	v4 =	vor.u32 v4, v5  }
0xca: {  	v5 =	vperm.xlane v4, v1;
	_ =	sdelay $0x1  }
0xcb: {  	v5 =	vadd.s32 v2, v5;
	_ =	sdelay $0x3  }
0xcc: {  	s22 =	simm.s32 $0xC200  }
0xcd: {  	[tilespmem:s22], [sflag:$0x2] =	stream.indirect_vreg.gather [hbm4b:s2+s3], $0x80, v5, vm0, $0xb8;
	[tilespmem:$0x10200] =	vst v63  }
0xce: {  	v4 =	vperm.xlane v4, v3;
	s22 =	simm.s32 $0xCA00  }
0xcf: {  	[tilespmem:s22], [sflag:$0x2] =	stream.indirect_vreg.gather [hbm4b:s4+s3], $0x80, v5, vm0, $0xb8;
	[tilespmem:$0x10200] =	vst v63  }
0xd0: {  	v4 =	vadd.s32 v2, v4;
	s22 =	simm.s32 $0xD200  }
0xd1: {  	[tilespmem:s22], [sflag:$0x2] =	stream.indirect_vreg.gather [hbm4b:s5+s3], $0x80, v5, vm0, $0xb8;
	[tilespmem:$0x10200] =	vst v63  }
0xd2: {  	s22 =	simm.s32 $0xDA00  }
0xd3: {  	[tilespmem:s22], [sflag:$0x2] =	stream.indirect_vreg.gather [hbm4b:s6+s3], $0x80, v5, vm0, $0xb8;
	[tilespmem:$0x10200] =	vst v63  }
0xd4: {  	s22 =	simm.s32 $0xE200  }
0xd5: {  	[tilespmem:s22], [sflag:$0x2] =	stream.indirect_vreg.gather [hbm4b:s2+s3], $0x80, v4, vm0, $0xb8;
	[tilespmem:$0x10200] =	vst v63  }
0xd6: {  	s22 =	simm.s32 $0xEA00  }
0xd7: {  	[tilespmem:s22], [sflag:$0x2] =	stream.indirect_vreg.gather [hbm4b:s4+s3], $0x80, v4, vm0, $0xb8;
	[tilespmem:$0x10200] =	vst v63  }
0xd8: {  	s22 =	simm.s32 $0xF200  }
0xd9: {  	[tilespmem:s22], [sflag:$0x2] =	stream.indirect_vreg.gather [hbm4b:s5+s3], $0x80, v4, vm0, $0xb8;
	[tilespmem:$0x10200] =	vst v63  }
0xda: {  	s22 =	simm.s32 $0xFA00  }
0xdb: {  	[tilespmem:s22], [sflag:$0x2] =	stream.indirect_vreg.gather [hbm4b:s6+s3], $0x80, v4, vm0, $0xb8;
	[tilespmem:$0x10200] =	vst v63  }
0xdc: {  	_ =	swait.ge [sflag:s0], $0x8000  }
0xdd: {  	[sflag:s0] =	ssyncset.done $0x0  }
0xde: {  	s10 =	rddreg [dreg:$0x6];
	[sflag:s0] =	ssyncadd.s32 $0xFFFF8000  }
0xdf: {  	[hbm4b:s10+s3] =	stream.linear.scatter [tilespmem:s25], [sflag:$0x3], $0x8000, $0x38;
	[tilespmem:$0x10200] =	vst v63  }
0xe0: {  	_ =	swait.ge [sflag:s8], $0x8000  }
0xe1: {  	[sflag:s8] =	ssyncset.done $0x0  }
0xe2: {  	s10 =	rddreg [dreg:$0x7];
	[sflag:s8] =	ssyncadd.s32 $0xFFFF8000  }
0xe3: {  	[hbm4b:s10+s3] =	stream.linear.scatter [tilespmem:s18], [sflag:$0x4], $0x8000, $0x38;
	[tilespmem:$0x10200] =	vst v63  }
0xe4: {  	p0 =	sne.s32 s7, $0x1;
	_ =	swait.ge [sflag:s1], $0x8000  }
.Ltmp0:
0xe5: {  	[sflag:s1] =	ssyncset.done $0x0;
	(pc) =	sbr.rel @p0 .LBB2_1-.Ltmp0, $4  }
0xe6: {  	[sflag:s1] =	ssyncadd.s32 $0xFFFF8000  }
0xe7: {  	_ =	swait.ge [sflag:s9], $0x8000  }
0xe8: {  	[sflag:s9] =	ssyncset.done $0x0  }
0xe9: {  	s7 =	sadd.s32 $0xFFFFFFFF, s7;
	[sflag:s9] =	ssyncadd.s32 $0xFFFF8000  }
0xea: {  	_ =	sfence.sel $0x180000  }
0xeb: {  	[bflag:$0x0] =	sbarrier.arrive $0xFFFF  }
0xec: {  	_ =	strace $0x9000004A  }
0xed: {  	s0 =	stileid.u32;
	[bflag:$0x2] =	sbarrier.arrive $0xFFFF  }
0xee: {  	p0 =	sne.s32 s0, $0x0;
	s0 =	rddreg [dreg:$0x2]  }
0xef: {  	s0 =	sadd.s32 @!p0 $0x100000, s0  }
0xf0: {  	[sflag:s0] =	ssyncadd.tile.s32 @!p0 $0x1;
	_ =	shalt  }
.Lfunc_end2:
_tile_overlayer_lowered:
.L_overlay_start_2:
0xf1: {  	(tag) =	ssettag $0x2  }
0xf2: {  	s0 =	rddreg [dreg:$0x0];
	s2 =	stileid.u32  }
0xf3: {  	s1 =	rddreg [dreg:$0x1];
	p0 =	sne.s32 s2, $0x0  }
0xf4: {  	s3 =	rddreg [dreg:$0x2];
	[bflag:$0x3] =	sbarrier.arrive $0xFFFF;
	s2 =	simm.s32 @!p0 $0x1C05  }
0xf5: {  	[timem:s3], [sflag:s2] =	dma.local @!p0 [hbm:s0], s1  }
0xf6: {  	s0 =	simm.s32 @!p0 $0x5  }
0xf7: {  	_ =	swait.ge @!p0 [sflag:s0], s1  }
0xf8: {  	s1 =	ssub.s32 @!p0 $0x0, s1;
	[sflag:s0] =	ssyncset.done @!p0 $0x0  }
0xf9: {  	[sflag:s0] =	ssyncadd.s32 @!p0 s1  }
0xfa: {  	[bflag:$0x3] =	sbarrier.arrive $0xFFFF  }
0xfb: {  	_ =	shalt  }

// kernel: kernel.14.cloned.1.call-start
scs
__scs_entry_jumppad:
0x0: {  	(pc) =	sbr.rel $0x88, $3  }
0x1: {  	(tag) =	ssettag $0x0;
	lr =	simm.s32 $0x1  }
0x2: {  	[smem:$0x3F9E] =	sst lr;
	_ =	strace $0xD0000000  }
0x3: {  	_ = 	snop  }
0x4: {  	_ = 	snop  }
0x5: {  	_ = 	snop  }
0x6: {  	_ = 	snop  }
0x7: {  	_ = 	snop  }
__scs_overlays_trampoline_lowered:
0x8: {  	[smem:$0x3FAD] =	sst s0  }
0x9: {  	[smem:$0x3FAE] =	sst s1  }
0xa: {  	[smem:$0x3FAF] =	sst s2  }
0xb: {  	[smem:$0x3FB0] =	sst s3  }
0xc: {  	[smem:$0x3FB1] =	sst s4  }
0xd: {  	[smem:$0x3FB2] =	sst s5  }
0xe: {  	[smem:$0x3FB3] =	sst s6  }
0xf: {  	[smem:$0x3FB4] =	sst s7  }
0x10: {  	[smem:$0x3FB5] =	sst s8  }
0x11: {  	[smem:$0x3FB6] =	sst s9;
	s0 =	simm.s32 @!p0 $0x0  }
0x12: {  	s1 =	sld [smem:$0x3F9C];
	s0 =	simm.s32 @p0 $0x1  }
0x13: {  	[smem:$0x3FB7] =	sst s0;
	s0 =	simm.s32 @!p1 $0x0  }
0x14: {  	s2 =	sld [smem:$0x3F9B];
	s0 =	simm.s32 @p1 $0x1  }
0x15: {  	[smem:$0x3FB8] =	sst s0;
	s0 =	simm.s32 @!p2 $0x0  }
0x16: {  	s3 =	sld [smem:$0x3FDB];
	s0 =	simm.s32 @p2 $0x1  }
0x17: {  	s4 =	simm.s32 $0x1BF5;
	[smem:$0x3FBA] =	sst s0  }
0x18: {  	s0 =	sld [smem:$0x3F9D];
	_ =	swait.ge [sflag:s4], $0x0  }
0x19: {  	s7 =	sld [smem:$0x3F9E]  }
0x1a: {  	s8 =	sadd.s32 $0xFFFFE003, lr  }
0x1b: {  	s9 =	sadd.s32 $0xFFFFFEF7, lr;
	s5 =	simm.s32 $0xFFFFFFFF;
	p2 =	slt.u32 s8, $0xFFFFF086  }
0x1c: {  	p1 =	slt.u32 s9, $0xF7A;
	s5 =	simm.s32 @!p2 $0x0  }
0x1d: {  	s5 =	simm.s32 @p1 $0x1;
	p0 =	seq.s32 s7, s2  }
0x1e: {  	s7 =	smul.u32 @!p0 $0xF7A, s2;
	p2 =	seq.s32 @!p0 s5, $0x0  }
0x1f: {  	s9 =	smul.u32 $0xF7A, s1;
	s8 =	simm.s32 @!p0 $0x1BF5;
	p2 =	por !p2, p0  }
0x20: {  	[sflag:s8] =	ssyncset.s32 @!p0 $0xFFFFF086;
	s6 =	sadd.s32 @!p0 s3, s7;
	s7 =	simm.s32 @!p0 $0x108  }
0x21: {  	s3 =	sadd.s32 s3, s9;
	s6 =	sadd.s32 @!p0 $0x88, s6;
	s7 =	simm.s32 @p2 $0x1082  }
0x22: {  	[simem:s7], [sflag:s8] =	dma.local @!p0 [hbm:s6], $0xF7A  }
0x23: {  	s9 =	sor.u32 $0xD0000000, s2;
	s6 =	simm.s32 $0x108;
	_ =	swait.ge @!p0 [sflag:s8], $0x0  }
0x24: {  	s3 =	sadd.s32 $0x88, s3;
	s6 =	simm.s32 @!p1 $0x1082;
	[sflag:s4] =	ssyncset.s32 $0xFFFFF086  }
0x25: {  	[simem:s6], [sflag:s4] =	dma.local [hbm:s3], $0xF7A  }
0x26: {  	[smem:$0x3F9E] =	sst s1;
	(tag) =	ssettag s2;
	_ =	strace s9  }
0x27: {  	s1 =	sld [smem:$0x3FAE]  }
0x28: {  	s2 =	sld [smem:$0x3FAF]  }
0x29: {  	s4 =	sld [smem:$0x3FB1]  }
0x2a: {  	p0 =	seq.s32 s5, $0x0;
	s5 =	sld [smem:$0x3FB2]  }
0x2b: {  	s6 =	sld [smem:$0x3FB3]  }
0x2c: {  	s7 =	sld [smem:$0x3FB4]  }
0x2d: {  	s3 =	simm.s32 $0x108;
	s8 =	sld [smem:$0x3FB5]  }
0x2e: {  	s3 =	simm.s32 @!p0 $0x1082;
	s9 =	sld [smem:$0x3FB6]  }
0x2f: {  	lr =	sadd.s32 s0, s3;
	s0 =	sld [smem:$0x3FAD]  }
0x30: {  	s3 =	sld [smem:$0x3FB0]  }
0x31: {  	[smem:$0x3FB9] =	sst s10  }
0x32: {  	s10 =	sld [smem:$0x3FB7];
	_ =	sdelay $0x3  }
0x33: {  	p0 =	seq.s32 s10, $0x1;
	s10 =	sld [smem:$0x3FB9];
	_ =	sdelay $0x3  }
0x34: {  	[smem:$0x3FB9] =	sst s10  }
0x35: {  	s10 =	sld [smem:$0x3FB8];
	_ =	sdelay $0x3  }
0x36: {  	p1 =	seq.s32 s10, $0x1;
	s10 =	sld [smem:$0x3FB9];
	_ =	sdelay $0x3  }
0x37: {  	[smem:$0x3FB9] =	sst s10  }
0x38: {  	s10 =	sld [smem:$0x3FBA]  }
0x39: {  	_ = 	snop;
	(pc) =	sbr.ind lr, $3  }
0x3a: {  	_ = 	snop  }
0x3b: {  	_ = 	snop  }
0x3c: {  	p2 =	seq.s32 s10, $0x1;
	s10 =	sld [smem:$0x3FB9]  }
0x3d: {  	_ =	shalt  }
0x3e: {  	_ =	shalt  }
0x3f: {  	_ =	shalt  }
0x40: {  	_ =	shalt  }
0x41: {  	_ =	shalt  }
0x42: {  	_ =	shalt  }
0x43: {  	_ =	shalt  }
0x44: {  	_ =	shalt  }
0x45: {  	_ =	shalt  }
0x46: {  	_ =	shalt  }
0x47: {  	_ =	shalt  }
0x48: {  	_ =	shalt  }
0x49: {  	_ =	shalt  }
0x4a: {  	_ =	shalt  }
0x4b: {  	_ =	shalt  }
0x4c: {  	_ =	shalt  }
0x4d: {  	_ =	shalt  }
0x4e: {  	_ =	shalt  }
0x4f: {  	_ =	shalt  }
0x50: {  	_ =	shalt  }
0x51: {  	_ =	shalt  }
0x52: {  	_ =	shalt  }
0x53: {  	_ =	shalt  }
0x54: {  	_ =	shalt  }
0x55: {  	_ =	shalt  }
0x56: {  	_ =	shalt  }
0x57: {  	_ =	shalt  }
0x58: {  	_ =	shalt  }
0x59: {  	_ =	shalt  }
0x5a: {  	_ =	shalt  }
0x5b: {  	_ =	shalt  }
0x5c: {  	_ =	shalt  }
0x5d: {  	_ =	shalt  }
0x5e: {  	_ =	shalt  }
0x5f: {  	_ =	shalt  }
0x60: {  	_ =	shalt  }
0x61: {  	_ =	shalt  }
0x62: {  	_ =	shalt  }
0x63: {  	_ =	shalt  }
0x64: {  	_ =	shalt  }
0x65: {  	_ =	shalt  }
0x66: {  	_ =	shalt  }
0x67: {  	_ =	shalt  }
0x68: {  	_ =	shalt  }
0x69: {  	_ =	shalt  }
0x6a: {  	_ =	shalt  }
0x6b: {  	_ =	shalt  }
0x6c: {  	_ =	shalt  }
0x6d: {  	_ =	shalt  }
0x6e: {  	_ =	shalt  }
0x6f: {  	_ =	shalt  }
0x70: {  	_ =	shalt  }
0x71: {  	_ =	shalt  }
0x72: {  	_ =	shalt  }
0x73: {  	_ =	shalt  }
0x74: {  	_ =	shalt  }
0x75: {  	_ =	shalt  }
0x76: {  	_ =	shalt  }
0x77: {  	_ =	shalt  }
0x78: {  	_ =	shalt  }
0x79: {  	_ =	shalt  }
0x7a: {  	_ =	shalt  }
0x7b: {  	_ =	shalt  }
0x7c: {  	_ =	shalt  }
0x7d: {  	_ =	shalt  }
0x7e: {  	_ =	shalt  }
0x7f: {  	_ =	shalt  }
0x80: {  	_ =	shalt  }
0x81: {  	_ =	shalt  }
0x82: {  	_ =	shalt  }
0x83: {  	_ =	shalt  }
0x84: {  	_ =	shalt  }
0x85: {  	_ =	shalt  }
0x86: {  	_ =	shalt  }
0x87: {  	_ =	shalt  }
.Lfunc_end0:
.L_simem_size_0:
called_computation.2_lowered:
.L_overlay_start_0:
0x88: {  	s2 =	sld [smem:$0x3FD9]  }
0x89: {  	s3 =	sld [smem:$0x3FFE];
	_ =	sdelay $0x1  }
0x8a: {  	s1 =	srdreg.scid  }
0x8b: {  	s0 =	sand.u32 $0x1, s1  }
0x8c: {  	s17 =	sshll.u32 s0, $0xA;
	s2 =	sadd.s32 s3, s2  }
0x8d: {  	s2 =	sadd.s32 s2, s17  }
0x8e: {  	[smem:$0x3FC5] =	sst s2  }
0x8f: {  	_ = 	snop  }
0x90: {  	s18 =	sld [smem:$0x3FC9];
	(tm) =	ssettm $0x1  }
0x91: {  	s19 =	sld [smem:$0x3FFB];
	_ =	sdelay $0x3  }
0x92: {  	_ =	strace s19  }
0x93: {  	s2 =	sld [smem:$0x3FFC];
	_ =	sdelay $0x3  }
0x94: {  	_ =	strace s2  }
0x95: {  	s2 =	sld [smem:$0x3FFD];
	_ =	sdelay $0x3  }
0x96: {  	_ =	strace s2  }
0x97: {  	_ =	strace $0x8FFFFFFF  }
0x98: {  	s20 =	sld [smem:$0x3FDB];
	_ =	sdelay $0x1  }
0x99: {  	s4 =	simm.s32 $_scs_section_size  }
0x9a: {  	s5 =	simm.s32 $_size__tile_overlayer_lowered;
	s6 =	simm.s32 $_tile_overlayer_lowered  }
0x9b: {  	s7 =	simm.s32 $0x1BFF;
	s21 =	sshll.u32 s6, $0x1;
	s4 =	sadd.s32 s4, s20  }
0x9c: {  	s22 =	simm.s32 $0x0;
	s5 =	sshll.u32 s5, $0x1;
	s6 =	sadd.s32 s21, s4  }
0x9d: {  	[timem:s22], [sflag:s7] =	dma.local [hbm:s6], s5  }
0x9e: {  	_ =	swait.ge [sflag:s7], s5  }
0x9f: {  	s5 =	ssub.s32 $0x0, s5;
	[sflag:s7] =	ssyncset.done $0x0  }
0xa0: {  	[sflag:s7] =	ssyncadd.s32 s5;
	_ =	sdelay $0x1  }
0xa1: {  	s23 =	simm.s32 $0x1B8B  }
0xa2: {  	_ =	swait.ge [sflag:s23], $0x1  }
0xa3: {  	[sflag:s23] =	ssyncset.done $0x0  }
0xa4: {  	[sflag:s23] =	ssyncadd.s32 $0xFFFFFFFF  }
0xa5: {  	s5 =	sld [smem:$0x0]  }
0xa6: {  	s6 =	sand.u32 $0xFFFFFFFE, s1  }
0xa7: {  	p0 =	sne.s32 s1, s6  }
0xa8: {  	s6 =	sshll.u32 @p0 s6, $0xE  }
0xa9: {  	s6 =	sadd.s32 @p0 $0x11B8D, s6;
	s7 =	sshll.u32 @p0 s5, $0x11  }
0xaa: {  	s6 =	sor.u32 @p0 s7, s6  }
0xab: {  	[sflag:s6] =	ssyncadd.remote.s32 @p0 $0x1;
	_ =	sdelay $0x1  }
0xac: {  	s6 =	simm.s32 @p0 $0x1B8D  }
0xad: {  	_ =	swait.eq @p0 [sflag:s6], $0x1  }
0xae: {  	[sflag:s6] =	ssyncadd.s32 @p0 $0xFFFFFFFF  }
0xaf: {  	s7 =	sshll.u32 @!p0 s1, $0xE  }
0xb0: {  	s7 =	sor.u32 @!p0 $0x4000, s7;
	s6 =	simm.s32 @!p0 $0x1B8D  }
0xb1: {  	s5 =	sshll.u32 @!p0 s5, $0x11;
	s7 =	sadd.s32 @!p0 $0x11B8D, s7;
	_ =	swait.eq @!p0 [sflag:s6], $0x1  }
0xb2: {  	s5 =	sor.u32 @!p0 s5, s7;
	[sflag:s6] =	ssyncadd.s32 @!p0 $0xFFFFFFFF  }
0xb3: {  	s25 =	simm.s32 $0x1B8E;
	s24 =	sld [smem:$0x3FFE];
	[sflag:s5] =	ssyncadd.remote.s32 @!p0 $0x1  }
0xb4: {  	s26 =	simm.s32 $execute0_lowered;
	[smem:$0x3FD2] =	sst s25  }
0xb5: {  	s6 =	sshll.u32 s26, $0x1;
	_ =	strace $0x8000004C;
	[dreg:$0x1] =	wrdreg $0xFFFFFFFF  }
0xb6: {  	s28 =	simm.s32 $_size_execute0_lowered;
	s4 =	sadd.s32 s4, s6;
	[dreg:$0x0] =	wrdreg $0x0  }
0xb7: {  	s6 =	sshll.u32 s28, $0x1;
	[dreg:$0x2] =	wrdreg s4  }
0xb8: {  	[dreg:$0x3] =	wrdreg s6  }
0xb9: {  	[dreg:$0x4] =	wrdreg $0xC0  }
0xba: {  	_ =	task [dreg:s22], $0x5FFFF  }
0xbb: {  	[dreg:$0x1] =	wrdreg $0xFFFFFFFF  }
0xbc: {  	[dreg:$0x0] =	wrdreg $0x60  }
0xbd: {  	[dreg:$0x2] =	wrdreg s18  }
0xbe: {  	[dreg:$0x3] =	wrdreg s24  }
0xbf: {  	[dreg:$0x4] =	wrdreg $0xB  }
0xc0: {  	_ =	task.clear_ibuf [dreg:s22], $0x5FFFF;
	_ =	strace $0x9000004C  }
0xc1: {  	s29 =	simm.s32 $0xB;
	_ =	strace $0x8000004E  }
0xc2: {  	_ =	swait.ge [sflag:s29], $0x1  }
0xc3: {  	[sflag:s29] =	ssyncadd.s32 $0xFFFFFFFF  }
0xc4: {  	_ =	strace $0x9000004E  }
0xc5: {  	_ =	sfence  }
0xc6: {  	s30 =	sld [smem:$0x0];
	_ =	sdelay $0x2  }
0xc7: {  	s31 =	sshll.u32 s1, $0xD;
	s1 =	sshrl.u32 s1, $0x2  }
0xc8: {  	s4 =	sand.u32 $0x4000, s31;
	s1 =	sadd.s32 s1, s30  }
0xc9: {  	s0 =	sor.u32 s4, s0;
	s1 =	sshll.u32 s1, $0x11  }
0xca: {  	s0 =	sor.u32 s1, s0  }
0xcb: {  	s0 =	sadd.s32 $0x8F2B, s0  }
0xcc: {  	[sflag:s0] =	ssyncadd.remote.s32 $0x1  }
0xcd: {  	_ =	sfence.sel $0xFFFF  }
0xce: {  	[dreg:$0x0] =	wrdreg $0xFFFFFFFF;
	(pc) =	sbr.abs _section_cstart, $3  }
0xcf: {  	[dreg:$0x1] =	wrdreg $0xFFFFFFFF  }
0xd0: {  	_ =	task.clear_ibuf [dreg:s22], $0x2FFFF;
	_ =	strace $0x9FFFFFFF  }
0xd1: {  	(tm) =	ssettm $0x7FFFFFFF  }
tec
execute0_lowered:
.L_overlay_start_1:
0x0: {  	(tag) =	ssettag $0x1  }
0x1: {  	s0 =	stileid.u32;
	s2 =	rddreg [dreg:$0x0]  }
0x2: {  	s1 =	srdreg.scid;
	s5 =	rddreg [dreg:$0x1];
	s14 =	simm.s32 $0x900  }
0x3: {  	s15 =	simm.s32 $0x1100;
	s16 =	simm.s32 $0x1900;
	s17 =	simm.s32 $0x2100  }
0x4: {  	s18 =	simm.s32 $0x2900;
	s19 =	simm.s32 $0x3100;
	s3 =	sshll.u32 s0, $0x8  }
0x5: {  	s26 =	sshll.u32 s0, $0x1;
	s0 =	sand.u32 $0x800, s3;
	s3 =	simm.s32 $0x0  }
0x6: {  	s21 =	simm.s32 $0x3900;
	s23 =	simm.s32 $0x4100;
	[smem:$0x7FF] =	sst s3  }
0x7: {  	s24 =	simm.s32 $0x4900;
	_ =	strace $0x8000004D;
	[dreg:$0x6] =	wrdreg s14  }
0x8: {  	s25 =	simm.s32 $0x5100;
	s9 =	simm.s32 $0x6100;
	[dreg:$0x7] =	wrdreg s15  }
0x9: {  	s10 =	simm.s32 $0x6900;
	s11 =	simm.s32 $0x7900;
	[dreg:$0x8] =	wrdreg s16  }
0xa: {  	s28 =	simm.s32 $0xF900;
	s29 =	simm.s32 $0x1;
	[dreg:$0x9] =	wrdreg s17  }
0xb: {  	s30 =	simm.s32 $0x2;
	s31 =	simm.s32 $0x3;
	[dreg:$0xa] =	wrdreg s18  }
0xc: {  	s4 =	sand.u32 $0x1, s1;
	s1 =	simm.s32 $0x4;
	[dreg:$0xb] =	wrdreg s19  }
0xd: {  	s6 =	sor.u32 s4, s26;
	s4 =	ssub.s32 $0x2, s4;
	[dreg:$0xc] =	wrdreg s21  }
0xe: {  	s26 =	simm.s32 $0x5900;
	s7 =	sshll.u32 s6, $0x5;
	[dreg:$0xd] =	wrdreg s23  }
0xf: {  	s8 =	sadd.s32 s0, s5;
	s6 =	sshll.u32 s6, $0xD;
	[dreg:$0xe] =	wrdreg s24  }
0x10: {  	s20 =	sshrl.u32 s4, $0x1;
	s7 =	sand.u32 $0x1E0, s7;
	[dreg:$0xf] =	wrdreg s25  }
0x11: {  	s5 =	sadd.s32 s6, s5;
	s22 =	ssub.s32 s4, s20;
	[dreg:$0x10] =	wrdreg s26  }
0x12: {  	s4 =	sadd.s32 $0x100, s2;
	s6 =	sadd.s32 $0x300, s2;
	[dreg:$0x11] =	wrdreg s9  }
0x13: {  	s9 =	simm.s32 $0x100;
	[dreg:$0x12] =	wrdreg s10;
	s14 =	simm.s32 $0x9100  }
0x14: {  	s15 =	simm.s32 $0x9900;
	s16 =	simm.s32 $0xA100;
	s17 =	simm.s32 $0xA900  }
0x15: {  	s18 =	simm.s32 $0xB100;
	s19 =	simm.s32 $0xB900;
	s20 =	simm.s32 $0xC100  }
0x16: {  	s21 =	simm.s32 $0xC900;
	s23 =	simm.s32 $0xD900;
	s24 =	simm.s32 $0xE100  }
0x17: {  	s25 =	simm.s32 $0xE900;
	s26 =	simm.s32 $0xF100;
	s13 =	sadd.s32 $0x82200, s5  }
0x18: {  	s7 =	sadd.s32 s7, s8;
	s5 =	sadd.s32 $0x83200, s5;
	[dreg:$0x4] =	wrdreg s13  }
0x19: {  	v3 =	vlaneseq.u32;
	s8 =	simm.s32 $0x5;
	s12 =	sadd.s32 $0x1800, s7;
	[dreg:$0x5] =	wrdreg s5  }
0x1a: {  	vm0 =	vmmov $0xffff;
	v1 =	vand.u32 $0x7, v3;
	v2 =	vshrl.u32 v3, $0x3;
	s5 =	sadd.s32 $0x200, s2;
	s7 =	smax.u32 s22, $0x1;
	s13 =	simm.s32 $0x8900  }
0x1b: {  	v3 =	vor.u32 $0x8, v3;
	v2 =	vmul.u32 $0x8, v2;
	v0 =	vmov s0;
	s22 =	simm.s32 $0xD100;
	[dreg:$0x3] =	wrdreg s12;
	s12 =	simm.s32 $0x8100  }
.LBB2_1:
0x1c: {  	s0 =	rddreg [dreg:$0x3]  }
0x1d: {  	[tilespmem:s3], [sflag:$0x5] =	stream.linear.gather [hbm4b:s0+s3], $0x100, $0x38;
	[tilespmem:$0x10100] =	vst v63  }
0x1e: {  	_ =	swait.ge [sflag:s8], $0x100  }
0x1f: {  	[sflag:s8] =	ssyncset.done $0x0  }
0x20: {  	[sflag:s8] =	ssyncadd.s32 $0xFFFFFF00  }
0x21: {  	v4 =	vld [tilespmem:$0x0];
	_ =	sdelay $0x4  }
0x22: {  	v5 =	vadd.s32 v0, v4  }
0x23: {  	v6 =	vshll.u32 v5, $0x3  }
0x24: {  	v7 =	vld [tilespmem:$0x10];
	v4 =	vand.u32 $0x7, v4;
	v6 =	vand.u32 $0xFFFFFFC0, v6  }
0x25: {  	v8 =	vld [tilespmem:$0x80];
	v4 =	vor.u32 v4, v6  }
0x26: {  	v63 =	vld [tilespmem:$0x90];
	v9 =	vperm.xlane v4, v1;
	_ =	sdelay $0x1  }
0x27: {  	v9 =	vadd.s32 v2, v9  }
0x28: {  	[tilespmem:$0x0] =	vst v5;
	v5 =	vadd.s32 v0, v7  }
0x29: {  	[tilespmem:$0x10] =	vst v5;
	v5 =	vadd.s32 v0, v8  }
0x2a: {  	[tilespmem:$0x80] =	vst v5;
	v5 =	vadd.s32 v0, v63  }
0x2b: {  	[tilespmem:$0x90] =	vst v5  }
0x2c: {  	[tilespmem:s9], [sflag:$0x1] =	stream.indirect_vreg.gather [hbm4b:s2+s3], $0x80, v9, vm0, $0xb8;
	[tilespmem:$0x10100] =	vst v63  }
0x2d: {  	s0 =	rddreg [dreg:$0x6];
	v4 =	vperm.xlane v4, v3  }
0x2e: {  	[tilespmem:s0], [sflag:$0x1] =	stream.indirect_vreg.gather [hbm4b:s4+s3], $0x80, v9, vm0, $0xb8;
	[tilespmem:$0x10100] =	vst v63  }
0x2f: {  	s10 =	rddreg [dreg:$0x7];
	v4 =	vadd.s32 v2, v4  }
0x30: {  	[tilespmem:s10], [sflag:$0x1] =	stream.indirect_vreg.gather [hbm4b:s5+s3], $0x80, v9, vm0, $0xb8;
	[tilespmem:$0x10100] =	vst v63  }
0x31: {  	s0 =	rddreg [dreg:$0x8]  }
0x32: {  	[tilespmem:s0], [sflag:$0x1] =	stream.indirect_vreg.gather [hbm4b:s6+s3], $0x80, v9, vm0, $0xb8;
	[tilespmem:$0x10100] =	vst v63  }
0x33: {  	s10 =	rddreg [dreg:$0x9]  }
0x34: {  	[tilespmem:s10], [sflag:$0x1] =	stream.indirect_vreg.gather [hbm4b:s2+s3], $0x80, v4, vm0, $0xb8;
	[tilespmem:$0x10100] =	vst v63  }
0x35: {  	s0 =	rddreg [dreg:$0xa]  }
0x36: {  	[tilespmem:s0], [sflag:$0x1] =	stream.indirect_vreg.gather [hbm4b:s4+s3], $0x80, v4, vm0, $0xb8;
	[tilespmem:$0x10100] =	vst v63  }
0x37: {  	s10 =	rddreg [dreg:$0xb]  }
0x38: {  	[tilespmem:s10], [sflag:$0x1] =	stream.indirect_vreg.gather [hbm4b:s5+s3], $0x80, v4, vm0, $0xb8;
	[tilespmem:$0x10100] =	vst v63  }
0x39: {  	s0 =	rddreg [dreg:$0xc]  }
0x3a: {  	[tilespmem:s0], [sflag:$0x1] =	stream.indirect_vreg.gather [hbm4b:s6+s3], $0x80, v4, vm0, $0xb8;
	[tilespmem:$0x10100] =	vst v63  }
0x3b: {  	v4 =	vld [tilespmem:$0x10];
	_ =	sdelay $0x4  }
0x3c: {  	v5 =	vshll.u32 v4, $0x3  }
0x3d: {  	v4 =	vand.u32 $0x7, v4;
	v5 =	vand.u32 $0xFFFFFFC0, v5  }
0x3e: {  	v4 =	vor.u32 v4, v5  }
0x3f: {  	v5 =	vperm.xlane v4, v1;
	_ =	sdelay $0x1  }
0x40: {  	v5 =	vadd.s32 v2, v5;
	_ =	sdelay $0x3  }
0x41: {  	s0 =	rddreg [dreg:$0xd]  }
0x42: {  	[tilespmem:s0], [sflag:$0x1] =	stream.indirect_vreg.gather [hbm4b:s2+s3], $0x80, v5, vm0, $0xb8;
	[tilespmem:$0x10100] =	vst v63  }
0x43: {  	s10 =	rddreg [dreg:$0xe];
	v4 =	vperm.xlane v4, v3  }
0x44: {  	[tilespmem:s10], [sflag:$0x1] =	stream.indirect_vreg.gather [hbm4b:s4+s3], $0x80, v5, vm0, $0xb8;
	[tilespmem:$0x10100] =	vst v63  }
0x45: {  	v4 =	vadd.s32 v2, v4;
	s0 =	rddreg [dreg:$0xf]  }
0x46: {  	[tilespmem:s0], [sflag:$0x1] =	stream.indirect_vreg.gather [hbm4b:s5+s3], $0x80, v5, vm0, $0xb8;
	[tilespmem:$0x10100] =	vst v63  }
0x47: {  	s10 =	rddreg [dreg:$0x10]  }
0x48: {  	[tilespmem:s10], [sflag:$0x1] =	stream.indirect_vreg.gather [hbm4b:s6+s3], $0x80, v5, vm0, $0xb8;
	[tilespmem:$0x10100] =	vst v63  }
0x49: {  	s0 =	rddreg [dreg:$0x11]  }
0x4a: {  	[tilespmem:s0], [sflag:$0x1] =	stream.indirect_vreg.gather [hbm4b:s2+s3], $0x80, v4, vm0, $0xb8;
	[tilespmem:$0x10100] =	vst v63  }
0x4b: {  	s10 =	rddreg [dreg:$0x12]  }
0x4c: {  	[tilespmem:s10], [sflag:$0x1] =	stream.indirect_vreg.gather [hbm4b:s4+s3], $0x80, v4, vm0, $0xb8;
	[tilespmem:$0x10100] =	vst v63  }
0x4d: {  	s10 =	simm.s32 $0x7100  }
0x4e: {  	[tilespmem:s10], [sflag:$0x1] =	stream.indirect_vreg.gather [hbm4b:s5+s3], $0x80, v4, vm0, $0xb8;
	[tilespmem:$0x10100] =	vst v63  }
0x4f: {  	_ = 	snop  }
0x50: {  	[tilespmem:s11], [sflag:$0x1] =	stream.indirect_vreg.gather [hbm4b:s6+s3], $0x80, v4, vm0, $0xb8;
	[tilespmem:$0x10100] =	vst v63  }
0x51: {  	v4 =	vld [tilespmem:$0x80];
	_ =	sdelay $0x4  }
0x52: {  	v5 =	vshll.u32 v4, $0x3  }
0x53: {  	v4 =	vand.u32 $0x7, v4;
	v5 =	vand.u32 $0xFFFFFFC0, v5  }
0x54: {  	v4 =	vor.u32 v4, v5  }
0x55: {  	v5 =	vperm.xlane v4, v1;
	_ =	sdelay $0x1  }
0x56: {  	v5 =	vadd.s32 v2, v5;
	_ =	sdelay $0x4  }
0x57: {  	[tilespmem:s12], [sflag:$0x2] =	stream.indirect_vreg.gather [hbm4b:s2+s3], $0x80, v5, vm0, $0xb8;
	[tilespmem:$0x10100] =	vst v63  }
0x58: {  	v4 =	vperm.xlane v4, v3  }
0x59: {  	[tilespmem:s13], [sflag:$0x2] =	stream.indirect_vreg.gather [hbm4b:s4+s3], $0x80, v5, vm0, $0xb8;
	[tilespmem:$0x10100] =	vst v63  }
0x5a: {  	v4 =	vadd.s32 v2, v4  }
0x5b: {  	[tilespmem:s14], [sflag:$0x2] =	stream.indirect_vreg.gather [hbm4b:s5+s3], $0x80, v5, vm0, $0xb8;
	[tilespmem:$0x10100] =	vst v63  }
0x5c: {  	_ = 	snop  }
0x5d: {  	[tilespmem:s15], [sflag:$0x2] =	stream.indirect_vreg.gather [hbm4b:s6+s3], $0x80, v5, vm0, $0xb8;
	[tilespmem:$0x10100] =	vst v63  }
0x5e: {  	_ = 	snop  }
0x5f: {  	[tilespmem:s16], [sflag:$0x2] =	stream.indirect_vreg.gather [hbm4b:s2+s3], $0x80, v4, vm0, $0xb8;
	[tilespmem:$0x10100] =	vst v63  }
0x60: {  	_ = 	snop  }
0x61: {  	[tilespmem:s17], [sflag:$0x2] =	stream.indirect_vreg.gather [hbm4b:s4+s3], $0x80, v4, vm0, $0xb8;
	[tilespmem:$0x10100] =	vst v63  }
0x62: {  	_ = 	snop  }
0x63: {  	[tilespmem:s18], [sflag:$0x2] =	stream.indirect_vreg.gather [hbm4b:s5+s3], $0x80, v4, vm0, $0xb8;
	[tilespmem:$0x10100] =	vst v63  }
0x64: {  	_ = 	snop  }
0x65: {  	[tilespmem:s19], [sflag:$0x2] =	stream.indirect_vreg.gather [hbm4b:s6+s3], $0x80, v4, vm0, $0xb8;
	[tilespmem:$0x10100] =	vst v63  }
0x66: {  	v4 =	vld [tilespmem:$0x90];
	_ =	sdelay $0x4  }
0x67: {  	v5 =	vshll.u32 v4, $0x3  }
0x68: {  	v4 =	vand.u32 $0x7, v4;
	v5 =	vand.u32 $0xFFFFFFC0, v5  }
0x69: {  	v4 =	vor.u32 v4, v5  }
0x6a: {  	v5 =	vperm.xlane v4, v1;
	_ =	sdelay $0x1  }
0x6b: {  	v5 =	vadd.s32 v2, v5;
	_ =	sdelay $0x4  }
0x6c: {  	[tilespmem:s20], [sflag:$0x2] =	stream.indirect_vreg.gather [hbm4b:s2+s3], $0x80, v5, vm0, $0xb8;
	[tilespmem:$0x10100] =	vst v63  }
0x6d: {  	v4 =	vperm.xlane v4, v3  }
0x6e: {  	[tilespmem:s21], [sflag:$0x2] =	stream.indirect_vreg.gather [hbm4b:s4+s3], $0x80, v5, vm0, $0xb8;
	[tilespmem:$0x10100] =	vst v63  }
0x6f: {  	v4 =	vadd.s32 v2, v4  }
0x70: {  	[tilespmem:s22], [sflag:$0x2] =	stream.indirect_vreg.gather [hbm4b:s5+s3], $0x80, v5, vm0, $0xb8;
	[tilespmem:$0x10100] =	vst v63  }
0x71: {  	_ = 	snop  }
0x72: {  	[tilespmem:s23], [sflag:$0x2] =	stream.indirect_vreg.gather [hbm4b:s6+s3], $0x80, v5, vm0, $0xb8;
	[tilespmem:$0x10100] =	vst v63  }
0x73: {  	_ = 	snop  }
0x74: {  	[tilespmem:s24], [sflag:$0x2] =	stream.indirect_vreg.gather [hbm4b:s2+s3], $0x80, v4, vm0, $0xb8;
	[tilespmem:$0x10100] =	vst v63  }
0x75: {  	_ = 	snop  }
0x76: {  	[tilespmem:s25], [sflag:$0x2] =	stream.indirect_vreg.gather [hbm4b:s4+s3], $0x80, v4, vm0, $0xb8;
	[tilespmem:$0x10100] =	vst v63  }
0x77: {  	_ = 	snop  }
0x78: {  	[tilespmem:s26], [sflag:$0x2] =	stream.indirect_vreg.gather [hbm4b:s5+s3], $0x80, v4, vm0, $0xb8;
	[tilespmem:$0x10100] =	vst v63  }
0x79: {  	_ = 	snop  }
0x7a: {  	[tilespmem:s28], [sflag:$0x2] =	stream.indirect_vreg.gather [hbm4b:s6+s3], $0x80, v4, vm0, $0xb8;
	[tilespmem:$0x10100] =	vst v63  }
0x7b: {  	_ =	swait.ge [sflag:s29], $0x8000  }
0x7c: {  	[sflag:s29] =	ssyncset.done $0x0  }
0x7d: {  	s10 =	rddreg [dreg:$0x4];
	[sflag:s29] =	ssyncadd.s32 $0xFFFF8000  }
0x7e: {  	[hbm4b:s10+s3] =	stream.linear.scatter [tilespmem:s9], [sflag:$0x3], $0x8000, $0x38;
	[tilespmem:$0x10100] =	vst v63  }
0x7f: {  	_ =	swait.ge [sflag:s30], $0x8000  }
0x80: {  	[sflag:s30] =	ssyncset.done $0x0  }
0x81: {  	s10 =	rddreg [dreg:$0x5];
	[sflag:s30] =	ssyncadd.s32 $0xFFFF8000  }
0x82: {  	[hbm4b:s10+s3] =	stream.linear.scatter [tilespmem:s12], [sflag:$0x4], $0x8000, $0x38;
	[tilespmem:$0x10100] =	vst v63  }
0x83: {  	p0 =	sne.s32 s7, $0x1;
	_ =	swait.ge [sflag:s31], $0x8000  }
.Ltmp0:
0x84: {  	[sflag:s31] =	ssyncset.done $0x0;
	(pc) =	sbr.rel @p0 .LBB2_1-.Ltmp0, $4  }
0x85: {  	[sflag:s31] =	ssyncadd.s32 $0xFFFF8000  }
0x86: {  	_ =	swait.ge [sflag:s1], $0x8000  }
0x87: {  	[sflag:s1] =	ssyncset.done $0x0  }
0x88: {  	s7 =	sadd.s32 $0xFFFFFFFF, s7;
	[sflag:s1] =	ssyncadd.s32 $0xFFFF8000  }
0x89: {  	_ =	sfence.sel $0x180000  }
0x8a: {  	[bflag:$0x0] =	sbarrier.arrive $0xFFFF  }
0x8b: {  	_ =	strace $0x9000004D  }
0x8c: {  	s0 =	stileid.u32;
	[bflag:$0x2] =	sbarrier.arrive $0xFFFF  }
0x8d: {  	p0 =	sne.s32 s0, $0x0;
	s0 =	rddreg [dreg:$0x2]  }
0x8e: {  	s0 =	sadd.s32 @!p0 $0x100000, s0  }
0x8f: {  	[sflag:s0] =	ssyncadd.tile.s32 @!p0 $0x1;
	_ =	shalt  }
.Lfunc_end2:
_tile_overlayer_lowered:
.L_overlay_start_2:
0x90: {  	(tag) =	ssettag $0x2  }
0x91: {  	s0 =	rddreg [dreg:$0x0];
	s2 =	stileid.u32  }
0x92: {  	s1 =	rddreg [dreg:$0x1];
	p0 =	sne.s32 s2, $0x0  }
0x93: {  	s3 =	rddreg [dreg:$0x2];
	[bflag:$0x3] =	sbarrier.arrive $0xFFFF;
	s2 =	simm.s32 @!p0 $0x1C05  }
0x94: {  	[timem:s3], [sflag:s2] =	dma.local @!p0 [hbm:s0], s1  }
0x95: {  	s0 =	simm.s32 @!p0 $0x5  }
0x96: {  	_ =	swait.ge @!p0 [sflag:s0], s1  }
0x97: {  	s1 =	ssub.s32 @!p0 $0x0, s1;
	[sflag:s0] =	ssyncset.done @!p0 $0x0  }
0x98: {  	[sflag:s0] =	ssyncadd.s32 @!p0 s1  }
0x99: {  	[bflag:$0x3] =	sbarrier.arrive $0xFFFF  }
0x9a: {  	_ =	shalt  }

// kernel: kernel.8.cloned.1.call-start
scs
__scs_entry_jumppad:
0x0: {  	(pc) =	sbr.rel $0x88, $3  }
0x1: {  	(tag) =	ssettag $0x0;
	lr =	simm.s32 $0x1  }
0x2: {  	[smem:$0x3F9E] =	sst lr;
	_ =	strace $0xD0000000  }
0x3: {  	_ = 	snop  }
0x4: {  	_ = 	snop  }
0x5: {  	_ = 	snop  }
0x6: {  	_ = 	snop  }
0x7: {  	_ = 	snop  }
__scs_overlays_trampoline_lowered:
0x8: {  	[smem:$0x3FAD] =	sst s0  }
0x9: {  	[smem:$0x3FAE] =	sst s1  }
0xa: {  	[smem:$0x3FAF] =	sst s2  }
0xb: {  	[smem:$0x3FB0] =	sst s3  }
0xc: {  	[smem:$0x3FB1] =	sst s4  }
0xd: {  	[smem:$0x3FB2] =	sst s5  }
0xe: {  	[smem:$0x3FB3] =	sst s6  }
0xf: {  	[smem:$0x3FB4] =	sst s7  }
0x10: {  	[smem:$0x3FB5] =	sst s8  }
0x11: {  	[smem:$0x3FB6] =	sst s9;
	s0 =	simm.s32 @!p0 $0x0  }
0x12: {  	s1 =	sld [smem:$0x3F9C];
	s0 =	simm.s32 @p0 $0x1  }
0x13: {  	[smem:$0x3FB7] =	sst s0;
	s0 =	simm.s32 @!p1 $0x0  }
0x14: {  	s2 =	sld [smem:$0x3F9B];
	s0 =	simm.s32 @p1 $0x1  }
0x15: {  	[smem:$0x3FB8] =	sst s0;
	s0 =	simm.s32 @!p2 $0x0  }
0x16: {  	s3 =	sld [smem:$0x3FDB];
	s0 =	simm.s32 @p2 $0x1  }
0x17: {  	s4 =	simm.s32 $0x1BF5;
	[smem:$0x3FBA] =	sst s0  }
0x18: {  	s0 =	sld [smem:$0x3F9D];
	_ =	swait.ge [sflag:s4], $0x0  }
0x19: {  	s7 =	sld [smem:$0x3F9E]  }
0x1a: {  	s8 =	sadd.s32 $0xFFFFE003, lr  }
0x1b: {  	s9 =	sadd.s32 $0xFFFFFEF7, lr;
	s5 =	simm.s32 $0xFFFFFFFF;
	p2 =	slt.u32 s8, $0xFFFFF086  }
0x1c: {  	p1 =	slt.u32 s9, $0xF7A;
	s5 =	simm.s32 @!p2 $0x0  }
0x1d: {  	s5 =	simm.s32 @p1 $0x1;
	p0 =	seq.s32 s7, s2  }
0x1e: {  	s7 =	smul.u32 @!p0 $0xF7A, s2;
	p2 =	seq.s32 @!p0 s5, $0x0  }
0x1f: {  	s9 =	smul.u32 $0xF7A, s1;
	s8 =	simm.s32 @!p0 $0x1BF5;
	p2 =	por !p2, p0  }
0x20: {  	[sflag:s8] =	ssyncset.s32 @!p0 $0xFFFFF086;
	s6 =	sadd.s32 @!p0 s3, s7;
	s7 =	simm.s32 @!p0 $0x108  }
0x21: {  	s3 =	sadd.s32 s3, s9;
	s6 =	sadd.s32 @!p0 $0x88, s6;
	s7 =	simm.s32 @p2 $0x1082  }
0x22: {  	[simem:s7], [sflag:s8] =	dma.local @!p0 [hbm:s6], $0xF7A  }
0x23: {  	s9 =	sor.u32 $0xD0000000, s2;
	s6 =	simm.s32 $0x108;
	_ =	swait.ge @!p0 [sflag:s8], $0x0  }
0x24: {  	s3 =	sadd.s32 $0x88, s3;
	s6 =	simm.s32 @!p1 $0x1082;
	[sflag:s4] =	ssyncset.s32 $0xFFFFF086  }
0x25: {  	[simem:s6], [sflag:s4] =	dma.local [hbm:s3], $0xF7A  }
0x26: {  	[smem:$0x3F9E] =	sst s1;
	(tag) =	ssettag s2;
	_ =	strace s9  }
0x27: {  	s1 =	sld [smem:$0x3FAE]  }
0x28: {  	s2 =	sld [smem:$0x3FAF]  }
0x29: {  	s4 =	sld [smem:$0x3FB1]  }
0x2a: {  	p0 =	seq.s32 s5, $0x0;
	s5 =	sld [smem:$0x3FB2]  }
0x2b: {  	s6 =	sld [smem:$0x3FB3]  }
0x2c: {  	s7 =	sld [smem:$0x3FB4]  }
0x2d: {  	s3 =	simm.s32 $0x108;
	s8 =	sld [smem:$0x3FB5]  }
0x2e: {  	s3 =	simm.s32 @!p0 $0x1082;
	s9 =	sld [smem:$0x3FB6]  }
0x2f: {  	lr =	sadd.s32 s0, s3;
	s0 =	sld [smem:$0x3FAD]  }
0x30: {  	s3 =	sld [smem:$0x3FB0]  }
0x31: {  	[smem:$0x3FB9] =	sst s10  }
0x32: {  	s10 =	sld [smem:$0x3FB7];
	_ =	sdelay $0x3  }
0x33: {  	p0 =	seq.s32 s10, $0x1;
	s10 =	sld [smem:$0x3FB9];
	_ =	sdelay $0x3  }
0x34: {  	[smem:$0x3FB9] =	sst s10  }
0x35: {  	s10 =	sld [smem:$0x3FB8];
	_ =	sdelay $0x3  }
0x36: {  	p1 =	seq.s32 s10, $0x1;
	s10 =	sld [smem:$0x3FB9];
	_ =	sdelay $0x3  }
0x37: {  	[smem:$0x3FB9] =	sst s10  }
0x38: {  	s10 =	sld [smem:$0x3FBA]  }
0x39: {  	_ = 	snop;
	(pc) =	sbr.ind lr, $3  }
0x3a: {  	_ = 	snop  }
0x3b: {  	_ = 	snop  }
0x3c: {  	p2 =	seq.s32 s10, $0x1;
	s10 =	sld [smem:$0x3FB9]  }
0x3d: {  	_ =	shalt  }
0x3e: {  	_ =	shalt  }
0x3f: {  	_ =	shalt  }
0x40: {  	_ =	shalt  }
0x41: {  	_ =	shalt  }
0x42: {  	_ =	shalt  }
0x43: {  	_ =	shalt  }
0x44: {  	_ =	shalt  }
0x45: {  	_ =	shalt  }
0x46: {  	_ =	shalt  }
0x47: {  	_ =	shalt  }
0x48: {  	_ =	shalt  }
0x49: {  	_ =	shalt  }
0x4a: {  	_ =	shalt  }
0x4b: {  	_ =	shalt  }
0x4c: {  	_ =	shalt  }
0x4d: {  	_ =	shalt  }
0x4e: {  	_ =	shalt  }
0x4f: {  	_ =	shalt  }
0x50: {  	_ =	shalt  }
0x51: {  	_ =	shalt  }
0x52: {  	_ =	shalt  }
0x53: {  	_ =	shalt  }
0x54: {  	_ =	shalt  }
0x55: {  	_ =	shalt  }
0x56: {  	_ =	shalt  }
0x57: {  	_ =	shalt  }
0x58: {  	_ =	shalt  }
0x59: {  	_ =	shalt  }
0x5a: {  	_ =	shalt  }
0x5b: {  	_ =	shalt  }
0x5c: {  	_ =	shalt  }
0x5d: {  	_ =	shalt  }
0x5e: {  	_ =	shalt  }
0x5f: {  	_ =	shalt  }
0x60: {  	_ =	shalt  }
0x61: {  	_ =	shalt  }
0x62: {  	_ =	shalt  }
0x63: {  	_ =	shalt  }
0x64: {  	_ =	shalt  }
0x65: {  	_ =	shalt  }
0x66: {  	_ =	shalt  }
0x67: {  	_ =	shalt  }
0x68: {  	_ =	shalt  }
0x69: {  	_ =	shalt  }
0x6a: {  	_ =	shalt  }
0x6b: {  	_ =	shalt  }
0x6c: {  	_ =	shalt  }
0x6d: {  	_ =	shalt  }
0x6e: {  	_ =	shalt  }
0x6f: {  	_ =	shalt  }
0x70: {  	_ =	shalt  }
0x71: {  	_ =	shalt  }
0x72: {  	_ =	shalt  }
0x73: {  	_ =	shalt  }
0x74: {  	_ =	shalt  }
0x75: {  	_ =	shalt  }
0x76: {  	_ =	shalt  }
0x77: {  	_ =	shalt  }
0x78: {  	_ =	shalt  }
0x79: {  	_ =	shalt  }
0x7a: {  	_ =	shalt  }
0x7b: {  	_ =	shalt  }
0x7c: {  	_ =	shalt  }
0x7d: {  	_ =	shalt  }
0x7e: {  	_ =	shalt  }
0x7f: {  	_ =	shalt  }
0x80: {  	_ =	shalt  }
0x81: {  	_ =	shalt  }
0x82: {  	_ =	shalt  }
0x83: {  	_ =	shalt  }
0x84: {  	_ =	shalt  }
0x85: {  	_ =	shalt  }
0x86: {  	_ =	shalt  }
0x87: {  	_ =	shalt  }
.Lfunc_end0:
.L_simem_size_0:
called_computation_lowered:
.L_overlay_start_0:
0x88: {  	s2 =	sld [smem:$0x3FD9]  }
0x89: {  	s3 =	sld [smem:$0x3FFE];
	_ =	sdelay $0x1  }
0x8a: {  	s1 =	srdreg.scid  }
0x8b: {  	s0 =	sand.u32 $0x1, s1  }
0x8c: {  	s17 =	sshll.u32 s0, $0xA;
	s2 =	sadd.s32 s3, s2  }
0x8d: {  	s2 =	sadd.s32 s2, s17  }
0x8e: {  	[smem:$0x3FC5] =	sst s2  }
0x8f: {  	_ = 	snop  }
0x90: {  	s2 =	sld [smem:$0x3FC9]  }
0x91: {  	s18 =	sld [smem:$0x3FD0];
	(tm) =	ssettm $0x1  }
0x92: {  	s4 =	sld [smem:$0x3FFB];
	_ =	sdelay $0x3  }
0x93: {  	_ =	strace s4  }
0x94: {  	s4 =	sld [smem:$0x3FFC];
	_ =	sdelay $0x3  }
0x95: {  	_ =	strace s4  }
0x96: {  	s4 =	sld [smem:$0x3FFD];
	_ =	sdelay $0x3  }
0x97: {  	_ =	strace s4  }
0x98: {  	_ =	strace $0x8FFFFFFF  }
0x99: {  	s19 =	sld [smem:$0x3FDB];
	_ =	sdelay $0x1  }
0x9a: {  	s5 =	simm.s32 $_scs_section_size  }
0x9b: {  	s6 =	simm.s32 $_size__tile_overlayer_lowered;
	s7 =	simm.s32 $_tile_overlayer_lowered  }
0x9c: {  	s22 =	simm.s32 $0x1BFF;
	s21 =	sshll.u32 s7, $0x1;
	s4 =	sadd.s32 s5, s19  }
0x9d: {  	s8 =	simm.s32 $0x0;
	s20 =	sshll.u32 s6, $0x1;
	s6 =	sadd.s32 s21, s4  }
0x9e: {  	[timem:s8], [sflag:s22] =	dma.local [hbm:s6], s20  }
0x9f: {  	_ =	swait.ge [sflag:s22], s20  }
0xa0: {  	s5 =	ssub.s32 $0x0, s20;
	[sflag:s22] =	ssyncset.done $0x0  }
0xa1: {  	[sflag:s22] =	ssyncadd.s32 s5;
	_ =	sdelay $0x1  }
0xa2: {  	s23 =	simm.s32 $0x1B8B  }
0xa3: {  	_ =	swait.ge [sflag:s23], $0x1  }
0xa4: {  	[sflag:s23] =	ssyncset.done $0x0  }
0xa5: {  	s25 =	simm.s32 $0x1B8E;
	s24 =	sld [smem:$0x3FFE];
	[sflag:s23] =	ssyncadd.s32 $0xFFFFFFFF  }
0xa6: {  	s26 =	simm.s32 $execute0_lowered;
	[smem:$0x3FD2] =	sst s25  }
0xa7: {  	s6 =	sshll.u32 s26, $0x1;
	_ =	strace $0x80000046;
	[dreg:$0x1] =	wrdreg $0xFFFFFFFF  }
0xa8: {  	s28 =	simm.s32 $_size_execute0_lowered;
	s4 =	sadd.s32 s4, s6;
	[dreg:$0x0] =	wrdreg $0x0  }
0xa9: {  	s6 =	sshll.u32 s28, $0x1;
	[dreg:$0x2] =	wrdreg s4  }
0xaa: {  	[dreg:$0x3] =	wrdreg s6  }
0xab: {  	[dreg:$0x4] =	wrdreg $0xC0  }
0xac: {  	_ =	task [dreg:s8], $0x5FFFF  }
0xad: {  	[dreg:$0x1] =	wrdreg $0xFFFFFFFF  }
0xae: {  	[dreg:$0x0] =	wrdreg $0x60  }
0xaf: {  	[dreg:$0x2] =	wrdreg s2  }
0xb0: {  	[dreg:$0x3] =	wrdreg s24  }
0xb1: {  	[dreg:$0x4] =	wrdreg s18  }
0xb2: {  	[dreg:$0x5] =	wrdreg $0x9  }
0xb3: {  	_ =	task.clear_ibuf [dreg:s8], $0x6FFFF;
	_ =	strace $0x90000046  }
0xb4: {  	s29 =	simm.s32 $0x9;
	_ =	strace $0x80000048  }
0xb5: {  	_ =	swait.ge [sflag:s29], $0x1  }
0xb6: {  	[sflag:s29] =	ssyncadd.s32 $0xFFFFFFFF  }
0xb7: {  	_ =	strace $0x90000048  }
0xb8: {  	_ =	sfence  }
0xb9: {  	s30 =	sld [smem:$0x0];
	_ =	sdelay $0x2  }
0xba: {  	s31 =	sshll.u32 s1, $0xD;
	s1 =	sshrl.u32 s1, $0x2  }
0xbb: {  	s3 =	sand.u32 $0x4000, s31;
	s1 =	sadd.s32 s1, s30  }
0xbc: {  	s0 =	sor.u32 s3, s0;
	s1 =	sshll.u32 s1, $0x11  }
0xbd: {  	s0 =	sor.u32 s1, s0  }
0xbe: {  	s0 =	sadd.s32 $0x8F2B, s0  }
0xbf: {  	[sflag:s0] =	ssyncadd.remote.s32 $0x1  }
0xc0: {  	_ =	sfence.sel $0xFFFF  }
0xc1: {  	[dreg:$0x0] =	wrdreg $0xFFFFFFFF;
	(pc) =	sbr.abs _section_cstart, $3  }
0xc2: {  	[dreg:$0x1] =	wrdreg $0xFFFFFFFF  }
0xc3: {  	_ =	task.clear_ibuf [dreg:s8], $0x2FFFF;
	_ =	strace $0x9FFFFFFF  }
0xc4: {  	(tm) =	ssettm $0x7FFFFFFF  }
0xc5: {  	_ =	shalt  }
tec
execute0_lowered:
.L_overlay_start_1:
0x0: {  	(tag) =	ssettag $0x1  }
0x1: {  	s1 =	rddreg [dreg:$0x0]  }
0x2: {  	s0 =	stileid.u32;
	s4 =	rddreg [dreg:$0x1]  }
0x3: {  	s2 =	srdreg.scid;
	s6 =	rddreg [dreg:$0x2]  }
0x4: {  	s13 =	simm.s32 $0x900;
	s14 =	simm.s32 $0x1100;
	s15 =	simm.s32 $0x1900  }
0x5: {  	s16 =	simm.s32 $0x2100;
	s17 =	simm.s32 $0x2900;
	s3 =	sshll.u32 s0, $0x8  }
0x6: {  	s26 =	sshll.u32 s0, $0x1;
	s0 =	sand.u32 $0x800, s3;
	s3 =	simm.s32 $0x0  }
0x7: {  	s18 =	simm.s32 $0x3100;
	s19 =	simm.s32 $0x3900;
	[smem:$0x7FF] =	sst s3  }
0x8: {  	s20 =	simm.s32 $0x4100;
	_ =	strace $0x80000047;
	[dreg:$0x6] =	wrdreg s13  }
0x9: {  	s22 =	simm.s32 $0x4900;
	s24 =	simm.s32 $0x5100;
	[dreg:$0x7] =	wrdreg s14  }
0xa: {  	s25 =	simm.s32 $0x5900;
	s9 =	simm.s32 $0x6100;
	[dreg:$0x8] =	wrdreg s15  }
0xb: {  	s11 =	simm.s32 $0x7100;
	s10 =	simm.s32 $0x100;
	[dreg:$0x9] =	wrdreg s16  }
0xc: {  	s12 =	simm.s32 $0x8100;
	s28 =	simm.s32 $0xF900;
	[dreg:$0xa] =	wrdreg s17  }
0xd: {  	s29 =	simm.s32 $0x1;
	s30 =	simm.s32 $0x2;
	[dreg:$0xb] =	wrdreg s18  }
0xe: {  	s31 =	simm.s32 $0x3;
	s5 =	sand.u32 $0x1, s2;
	[dreg:$0xc] =	wrdreg s19  }
0xf: {  	s2 =	simm.s32 $0x4;
	s7 =	sor.u32 s5, s26;
	[dreg:$0xd] =	wrdreg s20  }
0x10: {  	s5 =	ssub.s32 $0x2, s5;
	s26 =	simm.s32 $0x6900;
	[dreg:$0xe] =	wrdreg s22  }
0x11: {  	s8 =	sshll.u32 s7, $0x5;
	s4 =	sadd.s32 s0, s4;
	[dreg:$0xf] =	wrdreg s24  }
0x12: {  	s7 =	sshll.u32 s7, $0xD;
	s21 =	sshrl.u32 s5, $0x1;
	[dreg:$0x10] =	wrdreg s25  }
0x13: {  	s8 =	sand.u32 $0x1E0, s8;
	s23 =	ssub.s32 s5, s21;
	[dreg:$0x11] =	wrdreg s9  }
0x14: {  	s5 =	sadd.s32 $0x100, s1;
	[dreg:$0x12] =	wrdreg s26;
	s9 =	simm.s32 $0x5  }
0x15: {  	[dreg:$0x13] =	wrdreg s11;
	s13 =	simm.s32 $0x8900;
	s14 =	simm.s32 $0x9100  }
0x16: {  	s15 =	simm.s32 $0x9900;
	s16 =	simm.s32 $0xA100;
	s17 =	simm.s32 $0xA900  }
0x17: {  	s18 =	simm.s32 $0xB100;
	s19 =	simm.s32 $0xB900;
	s20 =	simm.s32 $0xC100  }
0x18: {  	s21 =	simm.s32 $0xC900;
	s22 =	simm.s32 $0xD100;
	s24 =	simm.s32 $0xE100  }
0x19: {  	s25 =	simm.s32 $0xE900;
	s26 =	simm.s32 $0xF100;
	s4 =	sadd.s32 s8, s4  }
0x1a: {  	v3 =	vlaneseq.u32;
	s8 =	sadd.s32 $0x1200, s4;
	s4 =	sadd.s32 s6, s7;
	s7 =	sadd.s32 $0x300, s1  }
0x1b: {  	vm0 =	vmmov $0xffff;
	v1 =	vand.u32 $0x7, v3;
	v2 =	vshrl.u32 v3, $0x3;
	[dreg:$0x4] =	wrdreg s8;
	s6 =	sadd.s32 $0x1000, s4;
	s8 =	smax.u32 s23, $0x1  }
0x1c: {  	v3 =	vor.u32 $0x8, v3;
	v2 =	vmul.u32 $0x8, v2;
	v0 =	vmov s0;
	s23 =	simm.s32 $0xD900;
	[dreg:$0x5] =	wrdreg s6;
	s6 =	sadd.s32 $0x200, s1  }
.LBB2_1:
0x1d: {  	s0 =	rddreg [dreg:$0x4]  }
0x1e: {  	[tilespmem:s3], [sflag:$0x5] =	stream.linear.gather [hbm4b:s0+s3], $0x100, $0x38;
	[tilespmem:$0x10100] =	vst v63  }
0x1f: {  	_ =	swait.ge [sflag:s9], $0x100  }
0x20: {  	[sflag:s9] =	ssyncset.done $0x0  }
0x21: {  	[sflag:s9] =	ssyncadd.s32 $0xFFFFFF00  }
0x22: {  	v4 =	vld [tilespmem:$0x0];
	_ =	sdelay $0x4  }
0x23: {  	v5 =	vadd.s32 v0, v4  }
0x24: {  	v6 =	vshll.u32 v5, $0x3  }
0x25: {  	v7 =	vld [tilespmem:$0x10];
	v4 =	vand.u32 $0x7, v4;
	v6 =	vand.u32 $0xFFFFFFC0, v6  }
0x26: {  	v8 =	vld [tilespmem:$0x80];
	v4 =	vor.u32 v4, v6  }
0x27: {  	v63 =	vld [tilespmem:$0x90];
	v9 =	vperm.xlane v4, v1;
	_ =	sdelay $0x1  }
0x28: {  	v9 =	vadd.s32 v2, v9  }
0x29: {  	[tilespmem:$0x0] =	vst v5;
	v5 =	vadd.s32 v0, v7  }
0x2a: {  	[tilespmem:$0x10] =	vst v5;
	v5 =	vadd.s32 v0, v8  }
0x2b: {  	[tilespmem:$0x80] =	vst v5;
	v5 =	vadd.s32 v0, v63  }
0x2c: {  	[tilespmem:$0x90] =	vst v5  }
0x2d: {  	[tilespmem:s10], [sflag:$0x1] =	stream.indirect_vreg.gather [hbm4b:s1+s3], $0x80, v9, vm0, $0xb8;
	[tilespmem:$0x10100] =	vst v63  }
0x2e: {  	s0 =	rddreg [dreg:$0x6];
	v4 =	vperm.xlane v4, v3  }
0x2f: {  	[tilespmem:s0], [sflag:$0x1] =	stream.indirect_vreg.gather [hbm4b:s5+s3], $0x80, v9, vm0, $0xb8;
	[tilespmem:$0x10100] =	vst v63  }
0x30: {  	s11 =	rddreg [dreg:$0x7];
	v4 =	vadd.s32 v2, v4  }
0x31: {  	[tilespmem:s11], [sflag:$0x1] =	stream.indirect_vreg.gather [hbm4b:s6+s3], $0x80, v9, vm0, $0xb8;
	[tilespmem:$0x10100] =	vst v63  }
0x32: {  	s0 =	rddreg [dreg:$0x8]  }
0x33: {  	[tilespmem:s0], [sflag:$0x1] =	stream.indirect_vreg.gather [hbm4b:s7+s3], $0x80, v9, vm0, $0xb8;
	[tilespmem:$0x10100] =	vst v63  }
0x34: {  	s11 =	rddreg [dreg:$0x9]  }
0x35: {  	[tilespmem:s11], [sflag:$0x1] =	stream.indirect_vreg.gather [hbm4b:s1+s3], $0x80, v4, vm0, $0xb8;
	[tilespmem:$0x10100] =	vst v63  }
0x36: {  	s0 =	rddreg [dreg:$0xa]  }
0x37: {  	[tilespmem:s0], [sflag:$0x1] =	stream.indirect_vreg.gather [hbm4b:s5+s3], $0x80, v4, vm0, $0xb8;
	[tilespmem:$0x10100] =	vst v63  }
0x38: {  	s11 =	rddreg [dreg:$0xb]  }
0x39: {  	[tilespmem:s11], [sflag:$0x1] =	stream.indirect_vreg.gather [hbm4b:s6+s3], $0x80, v4, vm0, $0xb8;
	[tilespmem:$0x10100] =	vst v63  }
0x3a: {  	s0 =	rddreg [dreg:$0xc]  }
0x3b: {  	[tilespmem:s0], [sflag:$0x1] =	stream.indirect_vreg.gather [hbm4b:s7+s3], $0x80, v4, vm0, $0xb8;
	[tilespmem:$0x10100] =	vst v63  }
0x3c: {  	v4 =	vld [tilespmem:$0x10];
	_ =	sdelay $0x4  }
0x3d: {  	v5 =	vshll.u32 v4, $0x3  }
0x3e: {  	v4 =	vand.u32 $0x7, v4;
	v5 =	vand.u32 $0xFFFFFFC0, v5  }
0x3f: {  	v4 =	vor.u32 v4, v5  }
0x40: {  	v5 =	vperm.xlane v4, v1;
	_ =	sdelay $0x1  }
0x41: {  	v5 =	vadd.s32 v2, v5;
	_ =	sdelay $0x3  }
0x42: {  	s0 =	rddreg [dreg:$0xd]  }
0x43: {  	[tilespmem:s0], [sflag:$0x1] =	stream.indirect_vreg.gather [hbm4b:s1+s3], $0x80, v5, vm0, $0xb8;
	[tilespmem:$0x10100] =	vst v63  }
0x44: {  	s11 =	rddreg [dreg:$0xe];
	v4 =	vperm.xlane v4, v3  }
0x45: {  	[tilespmem:s11], [sflag:$0x1] =	stream.indirect_vreg.gather [hbm4b:s5+s3], $0x80, v5, vm0, $0xb8;
	[tilespmem:$0x10100] =	vst v63  }
0x46: {  	v4 =	vadd.s32 v2, v4;
	s0 =	rddreg [dreg:$0xf]  }
0x47: {  	[tilespmem:s0], [sflag:$0x1] =	stream.indirect_vreg.gather [hbm4b:s6+s3], $0x80, v5, vm0, $0xb8;
	[tilespmem:$0x10100] =	vst v63  }
0x48: {  	s11 =	rddreg [dreg:$0x10]  }
0x49: {  	[tilespmem:s11], [sflag:$0x1] =	stream.indirect_vreg.gather [hbm4b:s7+s3], $0x80, v5, vm0, $0xb8;
	[tilespmem:$0x10100] =	vst v63  }
0x4a: {  	s0 =	rddreg [dreg:$0x11]  }
0x4b: {  	[tilespmem:s0], [sflag:$0x1] =	stream.indirect_vreg.gather [hbm4b:s1+s3], $0x80, v4, vm0, $0xb8;
	[tilespmem:$0x10100] =	vst v63  }
0x4c: {  	s11 =	rddreg [dreg:$0x12]  }
0x4d: {  	[tilespmem:s11], [sflag:$0x1] =	stream.indirect_vreg.gather [hbm4b:s5+s3], $0x80, v4, vm0, $0xb8;
	[tilespmem:$0x10100] =	vst v63  }
0x4e: {  	s0 =	rddreg [dreg:$0x13]  }
0x4f: {  	[tilespmem:s0], [sflag:$0x1] =	stream.indirect_vreg.gather [hbm4b:s6+s3], $0x80, v4, vm0, $0xb8;
	[tilespmem:$0x10100] =	vst v63  }
0x50: {  	s11 =	simm.s32 $0x7900  }
0x51: {  	[tilespmem:s11], [sflag:$0x1] =	stream.indirect_vreg.gather [hbm4b:s7+s3], $0x80, v4, vm0, $0xb8;
	[tilespmem:$0x10100] =	vst v63  }
0x52: {  	v4 =	vld [tilespmem:$0x80];
	_ =	sdelay $0x4  }
0x53: {  	v5 =	vshll.u32 v4, $0x3  }
0x54: {  	v4 =	vand.u32 $0x7, v4;
	v5 =	vand.u32 $0xFFFFFFC0, v5  }
0x55: {  	v4 =	vor.u32 v4, v5  }
0x56: {  	v5 =	vperm.xlane v4, v1;
	_ =	sdelay $0x1  }
0x57: {  	v5 =	vadd.s32 v2, v5;
	_ =	sdelay $0x4  }
0x58: {  	[tilespmem:s12], [sflag:$0x2] =	stream.indirect_vreg.gather [hbm4b:s1+s3], $0x80, v5, vm0, $0xb8;
	[tilespmem:$0x10100] =	vst v63  }
0x59: {  	v4 =	vperm.xlane v4, v3  }
0x5a: {  	[tilespmem:s13], [sflag:$0x2] =	stream.indirect_vreg.gather [hbm4b:s5+s3], $0x80, v5, vm0, $0xb8;
	[tilespmem:$0x10100] =	vst v63  }
0x5b: {  	v4 =	vadd.s32 v2, v4  }
0x5c: {  	[tilespmem:s14], [sflag:$0x2] =	stream.indirect_vreg.gather [hbm4b:s6+s3], $0x80, v5, vm0, $0xb8;
	[tilespmem:$0x10100] =	vst v63  }
0x5d: {  	_ = 	snop  }
0x5e: {  	[tilespmem:s15], [sflag:$0x2] =	stream.indirect_vreg.gather [hbm4b:s7+s3], $0x80, v5, vm0, $0xb8;
	[tilespmem:$0x10100] =	vst v63  }
0x5f: {  	_ = 	snop  }
0x60: {  	[tilespmem:s16], [sflag:$0x2] =	stream.indirect_vreg.gather [hbm4b:s1+s3], $0x80, v4, vm0, $0xb8;
	[tilespmem:$0x10100] =	vst v63  }
0x61: {  	_ = 	snop  }
0x62: {  	[tilespmem:s17], [sflag:$0x2] =	stream.indirect_vreg.gather [hbm4b:s5+s3], $0x80, v4, vm0, $0xb8;
	[tilespmem:$0x10100] =	vst v63  }
0x63: {  	_ = 	snop  }
0x64: {  	[tilespmem:s18], [sflag:$0x2] =	stream.indirect_vreg.gather [hbm4b:s6+s3], $0x80, v4, vm0, $0xb8;
	[tilespmem:$0x10100] =	vst v63  }
0x65: {  	_ = 	snop  }
0x66: {  	[tilespmem:s19], [sflag:$0x2] =	stream.indirect_vreg.gather [hbm4b:s7+s3], $0x80, v4, vm0, $0xb8;
	[tilespmem:$0x10100] =	vst v63  }
0x67: {  	v4 =	vld [tilespmem:$0x90];
	_ =	sdelay $0x4  }
0x68: {  	v5 =	vshll.u32 v4, $0x3  }
0x69: {  	v4 =	vand.u32 $0x7, v4;
	v5 =	vand.u32 $0xFFFFFFC0, v5  }
0x6a: {  	v4 =	vor.u32 v4, v5  }
0x6b: {  	v5 =	vperm.xlane v4, v1;
	_ =	sdelay $0x1  }
0x6c: {  	v5 =	vadd.s32 v2, v5;
	_ =	sdelay $0x4  }
0x6d: {  	[tilespmem:s20], [sflag:$0x2] =	stream.indirect_vreg.gather [hbm4b:s1+s3], $0x80, v5, vm0, $0xb8;
	[tilespmem:$0x10100] =	vst v63  }
0x6e: {  	v4 =	vperm.xlane v4, v3  }
0x6f: {  	[tilespmem:s21], [sflag:$0x2] =	stream.indirect_vreg.gather [hbm4b:s5+s3], $0x80, v5, vm0, $0xb8;
	[tilespmem:$0x10100] =	vst v63  }
0x70: {  	v4 =	vadd.s32 v2, v4  }
0x71: {  	[tilespmem:s22], [sflag:$0x2] =	stream.indirect_vreg.gather [hbm4b:s6+s3], $0x80, v5, vm0, $0xb8;
	[tilespmem:$0x10100] =	vst v63  }
0x72: {  	_ = 	snop  }
0x73: {  	[tilespmem:s23], [sflag:$0x2] =	stream.indirect_vreg.gather [hbm4b:s7+s3], $0x80, v5, vm0, $0xb8;
	[tilespmem:$0x10100] =	vst v63  }
0x74: {  	_ = 	snop  }
0x75: {  	[tilespmem:s24], [sflag:$0x2] =	stream.indirect_vreg.gather [hbm4b:s1+s3], $0x80, v4, vm0, $0xb8;
	[tilespmem:$0x10100] =	vst v63  }
0x76: {  	_ = 	snop  }
0x77: {  	[tilespmem:s25], [sflag:$0x2] =	stream.indirect_vreg.gather [hbm4b:s5+s3], $0x80, v4, vm0, $0xb8;
	[tilespmem:$0x10100] =	vst v63  }
0x78: {  	_ = 	snop  }
0x79: {  	[tilespmem:s26], [sflag:$0x2] =	stream.indirect_vreg.gather [hbm4b:s6+s3], $0x80, v4, vm0, $0xb8;
	[tilespmem:$0x10100] =	vst v63  }
0x7a: {  	_ = 	snop  }
0x7b: {  	[tilespmem:s28], [sflag:$0x2] =	stream.indirect_vreg.gather [hbm4b:s7+s3], $0x80, v4, vm0, $0xb8;
	[tilespmem:$0x10100] =	vst v63  }
0x7c: {  	_ =	swait.ge [sflag:s29], $0x8000  }
0x7d: {  	[sflag:s29] =	ssyncset.done $0x0  }
0x7e: {  	[sflag:s29] =	ssyncadd.s32 $0xFFFF8000  }
0x7f: {  	[hbm4b:s4+s3] =	stream.linear.scatter [tilespmem:s10], [sflag:$0x3], $0x8000, $0x38;
	[tilespmem:$0x10100] =	vst v63  }
0x80: {  	_ =	swait.ge [sflag:s30], $0x8000  }
0x81: {  	[sflag:s30] =	ssyncset.done $0x0  }
0x82: {  	s11 =	rddreg [dreg:$0x5];
	[sflag:s30] =	ssyncadd.s32 $0xFFFF8000  }
0x83: {  	[hbm4b:s11+s3] =	stream.linear.scatter [tilespmem:s12], [sflag:$0x4], $0x8000, $0x38;
	[tilespmem:$0x10100] =	vst v63  }
0x84: {  	p0 =	sne.s32 s8, $0x1;
	_ =	swait.ge [sflag:s31], $0x8000  }
.Ltmp0:
0x85: {  	[sflag:s31] =	ssyncset.done $0x0;
	(pc) =	sbr.rel @p0 .LBB2_1-.Ltmp0, $4  }
0x86: {  	[sflag:s31] =	ssyncadd.s32 $0xFFFF8000  }
0x87: {  	_ =	swait.ge [sflag:s2], $0x8000  }
0x88: {  	[sflag:s2] =	ssyncset.done $0x0  }
0x89: {  	s8 =	sadd.s32 $0xFFFFFFFF, s8;
	[sflag:s2] =	ssyncadd.s32 $0xFFFF8000  }
0x8a: {  	_ =	sfence.sel $0x180000  }
0x8b: {  	[bflag:$0x0] =	sbarrier.arrive $0xFFFF  }
0x8c: {  	_ =	strace $0x90000047  }
0x8d: {  	s0 =	stileid.u32;
	[bflag:$0x2] =	sbarrier.arrive $0xFFFF  }
0x8e: {  	p0 =	sne.s32 s0, $0x0;
	s0 =	rddreg [dreg:$0x3]  }
0x8f: {  	s0 =	sadd.s32 @!p0 $0x100000, s0  }
0x90: {  	[sflag:s0] =	ssyncadd.tile.s32 @!p0 $0x1;
	_ =	shalt  }
.Lfunc_end2:
_tile_overlayer_lowered:
.L_overlay_start_2:
0x91: {  	(tag) =	ssettag $0x2  }
0x92: {  	s0 =	rddreg [dreg:$0x0];
	s2 =	stileid.u32  }
0x93: {  	s1 =	rddreg [dreg:$0x1];
	p0 =	sne.s32 s2, $0x0  }
0x94: {  	s3 =	rddreg [dreg:$0x2];
	[bflag:$0x3] =	sbarrier.arrive $0xFFFF;
	s2 =	simm.s32 @!p0 $0x1C05  }
0x95: {  	[timem:s3], [sflag:s2] =	dma.local @!p0 [hbm:s0], s1  }
0x96: {  	s0 =	simm.s32 @!p0 $0x5  }
0x97: {  	_ =	swait.ge @!p0 [sflag:s0], s1  }
0x98: {  	s1 =	ssub.s32 @!p0 $0x0, s1;
	[sflag:s0] =	ssyncset.done @!p0 $0x0  }
0x99: {  	[sflag:s0] =	ssyncadd.s32 @!p0 s1  }
0x9a: {  	[bflag:$0x3] =	sbarrier.arrive $0xFFFF  }
0x9b: {  	_ =	shalt  }

</sc_bundles>
